<compile_context>
chip_gen: v7x
topology: tpu7x:2x2x1
jax: 0.10.2.dev20260603
libtpu: 0.0.44.dev20260713+nightly
codegen_flags: <defaults>
</compile_context>

<pallas_src>
import jax
import jax.numpy as jnp
from jax import lax
from jax.experimental import pallas as pl
from jax.experimental.pallas import tpu as pltpu
from jax.experimental.pallas import tpu_sc as plsc

N = 10000
E = 320000
NR = 10240
STRIPE = NR // 16
CHUNK = 128
SCH = 160
IB = 8
EP = 327680
NB = 2
IN_CH = 128
HID_CH = 256
OUT_CH = 128
EPS = 1e-5


def _make_sc_agg(width, n_chunks, gather):
    mesh = plsc.VectorSubcoreMesh(core_axis_name="c", subcore_axis_name="s")
    n_groups = n_chunks // IB

    def body(*refs):
        if gather:
            (table, srcb, dstb, zeros, out,
             srcv, dstv, r0, r1, acc, sg0, sg1) = refs
            rows = (r0, r1)
            semg = (sg0, sg1)
        else:
            ones, dstb, zeros, out, dstv, ones_v, acc = refs
        c = lax.axis_index("c")
        s = lax.axis_index("s")
        if gather:
            pltpu.sync_copy(zeros, acc.at[0, pl.ds(s * STRIPE, STRIPE)])
        else:
            pltpu.sync_copy(zeros, acc.at[pl.ds(s * STRIPE, STRIPE)])
        if not gather:
            pltpu.sync_copy(ones, ones_v)
        plsc.subcore_barrier()

        if gather:
            def group(g, carry):
                pltpu.sync_copy(srcb.at[c, s, pl.ds(g * IB, IB)], srcv)
                pltpu.sync_copy(dstb.at[c, s, pl.ds(g * IB, IB)], dstv)
                pltpu.async_copy(table.at[srcv.at[0]], rows[0], semg[0])

                def step(i, carry2):
                    j0 = 2 * i
                    j1 = j0 + 1
                    pltpu.async_copy(table.at[srcv.at[j1]], rows[1], semg[1])
                    pltpu.make_async_copy(table.at[srcv.at[j0]], rows[0],
                                          semg[0]).wait()
                    pltpu.sync_copy(rows[0], acc.at[dstv.at[j0]], add=True)

                    @pl.when(j0 + 2 < IB)
                    def _():
                        pltpu.async_copy(table.at[srcv.at[j0 + 2]], rows[0],
                                         semg[0])

                    pltpu.make_async_copy(table.at[srcv.at[j1]], rows[1],
                                          semg[1]).wait()
                    pltpu.sync_copy(rows[1], acc.at[dstv.at[j1]], add=True)
                    return carry2

                lax.fori_loop(0, IB // 2, step, 0)
                return carry

            lax.fori_loop(0, n_groups, group, 0)
        else:
            def group(g, carry):
                pltpu.sync_copy(dstb.at[c, s, pl.ds(g * IB, IB)], dstv)

                def step(j, carry2):
                    pltpu.sync_copy(ones_v, acc.at[dstv.at[j]], add=True)
                    return carry2

                lax.fori_loop(0, IB, step, 0)
                return carry

            lax.fori_loop(0, n_groups, group, 0)

        plsc.subcore_barrier()
        if gather:
            pltpu.sync_copy(acc.at[0, pl.ds(s * STRIPE, STRIPE)],
                            out.at[c, pl.ds(s * STRIPE, STRIPE)])
        else:
            pltpu.sync_copy(acc.at[pl.ds(s * STRIPE, STRIPE)],
                            out.at[c, pl.ds(s * STRIPE, STRIPE)])

    if gather:
        scratch = [
            pltpu.VMEM((IB, 1, SCH), jnp.int32),
            pltpu.VMEM((IB, 1, SCH), jnp.int32),
            pltpu.VMEM((1, SCH, width), jnp.float32),
            pltpu.VMEM((1, SCH, width), jnp.float32),
            pltpu.VMEM_SHARED((1, NR, width), jnp.float32),
            pltpu.SemaphoreType.DMA,
            pltpu.SemaphoreType.DMA,
        ]
    else:
        scratch = [
            pltpu.VMEM((IB, CHUNK), jnp.int32),
            pltpu.VMEM((CHUNK, width), jnp.float32),
            pltpu.VMEM_SHARED((NR, width), jnp.float32),
        ]
    return pl.kernel(
        body,
        out_type=jax.ShapeDtypeStruct((2, NR, width), jnp.float32),
        mesh=mesh,
        scratch_types=scratch,
    )


_N_CS = EP // (16 * SCH)
_N_ES = EP // (32 * SCH)
_N_DEG = EP // (32 * CHUNK)

_sc_deg = _make_sc_agg(128, _N_DEG, gather=False)
_sc_agg1 = _make_sc_agg(IN_CH, _N_CS, gather=True)
_sc_agg2 = _make_sc_agg(OUT_CH, _N_ES, gather=True)


def _tc_prep(x_ref, w1_ref, degp_ref, y_ref, dinv_ref):
    deg = degp_ref[0, :, 0:1] + degp_ref[1, :, 0:1] + 1.0
    dinv = lax.rsqrt(jnp.maximum(deg, 1.0))
    dinv_ref[...] = dinv
    xw = jnp.dot(x_ref[...], w1_ref[...], preferred_element_type=jnp.float32)
    y = xw * dinv[:N]
    y_ref[0, :N, :] = y[:, :IN_CH]
    y_ref[1, :N, :] = y[:, IN_CH:]


def _tc_mid(agg_ref, y1_ref, dinv_ref, b1_ref, g1_ref, be1_ref, w2_ref,
            y2_ref):
    dinv = dinv_ref[:N]
    hs = []
    for c in range(2):
        sl = slice(c * IN_CH, (c + 1) * IN_CH)
        t = (agg_ref[c, :N, :] + y1_ref[c, :N, :]) * dinv + b1_ref[:, sl]
        m = jnp.mean(t, axis=0, keepdims=True)
        v = jnp.mean(t * t, axis=0, keepdims=True) - m * m
        h = (t - m) * lax.rsqrt(v + EPS) * g1_ref[:, sl] + be1_ref[:, sl]
        hs.append(jnp.maximum(h, 0.0))
    y2 = (jnp.dot(hs[0], w2_ref[:IN_CH, :], preferred_element_type=jnp.float32)
          + jnp.dot(hs[1], w2_ref[IN_CH:, :],
                    preferred_element_type=jnp.float32))
    y2_ref[:N, :] = y2 * dinv


def _tc_fin(aggp_ref, y2_ref, dinv_ref, b2_ref, g2_ref, be2_ref, out_ref):
    dinv = dinv_ref[:N]
    t = ((aggp_ref[0, :N, :] + aggp_ref[1, :N, :] + y2_ref[:N, :]) * dinv
         + b2_ref[...])
    m = jnp.mean(t, axis=0, keepdims=True)
    v = jnp.mean(t * t, axis=0, keepdims=True) - m * m
    out_ref[...] = (t - m) * lax.rsqrt(v + EPS) * g2_ref[...] + be2_ref[...]


def kernel(x, edge_index, W1, b1, g1, be1, W2, b2, g2, be2):
    src = edge_index[0].astype(jnp.int32)
    dst = edge_index[1].astype(jnp.int32)
    pad = EP - E
    pad_iota = jnp.arange(pad, dtype=jnp.int32)
    src_p = jnp.concatenate([src, pad_iota % N])
    dst_p = jnp.concatenate([dst, N + pad_iota % (NR - N)])

    srcb_es = src_p.reshape(2, 16, -1, 1, SCH)
    dstb_es = dst_p.reshape(2, 16, -1, 1, SCH)
    dstb_deg = dst_p.reshape(2, 16, -1, CHUNK)
    src_cs = src_p.reshape(1, 16, -1, 1, SCH)
    srcb_cs = jnp.concatenate([src_cs, src_cs + NR], axis=0)
    dstb_cs = jnp.broadcast_to(dst_p.reshape(1, 16, -1, 1, SCH),
                               (2, 16, _N_CS, 1, SCH))

    ones_t = jnp.ones((CHUNK, 128), jnp.float32)
    z128 = jnp.zeros((STRIPE, 128), jnp.float32)

    degp = _sc_deg(ones_t, dstb_deg, z128)

    y1_tab, dinv = pl.pallas_call(
        _tc_prep,
        out_shape=(jax.ShapeDtypeStruct((2, NR, IN_CH), jnp.float32),
                   jax.ShapeDtypeStruct((NR, 1), jnp.float32)),
    )(x, W1, degp)

    agg1 = _sc_agg1(y1_tab.reshape(1, 2 * NR, IN_CH), srcb_cs, dstb_cs,
                    z128)

    y2_tab = pl.pallas_call(
        _tc_mid,
        out_shape=jax.ShapeDtypeStruct((NR, OUT_CH), jnp.float32),
    )(agg1, y1_tab, dinv, b1.reshape(1, -1), g1.reshape(1, -1),
      be1.reshape(1, -1), W2)

    agg2 = _sc_agg2(y2_tab.reshape(1, NR, OUT_CH), srcb_es, dstb_es, z128)

    out = pl.pallas_call(
        _tc_fin,
        out_shape=jax.ShapeDtypeStruct((N, OUT_CH), jnp.float32),
    )(agg2, y2_tab, dinv, b2.reshape(1, -1), g2.reshape(1, -1),
      be2.reshape(1, -1))
    return out

# --- scband reference (transcript-rebuilt; emitter-appended) ---
"""Pipeline reference for scband-gcnencoder-45827301048547 (READ-ONLY COPY).

The authoritative reference and input builder live on the scoring server;
editing this copy changes nothing except your own understanding.
"""

import jax, jax.numpy as jnp
import numpy as np

N_NODES = 10000
N_EDGES = 320000
IN_CH = 128
HID_CH = 256
OUT_CH = 128


def setup_inputs(seed: int = 0) -> dict:
    key = jax.random.key(seed)
    ks = jax.random.split(key, 8)
    x = jax.random.normal(ks[0], (N_NODES, IN_CH), dtype=jnp.float32)
    edge_index = jax.random.randint(ks[1], (2, N_EDGES), 0, N_NODES, dtype=jnp.int64)
    W1 = jax.random.normal(ks[2], (IN_CH, HID_CH), dtype=jnp.float32) * (1.0 / np.sqrt(IN_CH))
    b1 = jnp.zeros((HID_CH,), dtype=jnp.float32)
    g1 = jnp.ones((HID_CH,), dtype=jnp.float32)
    be1 = jnp.zeros((HID_CH,), dtype=jnp.float32)
    W2 = jax.random.normal(ks[3], (HID_CH, OUT_CH), dtype=jnp.float32) * (1.0 / np.sqrt(HID_CH))
    b2 = jnp.zeros((OUT_CH,), dtype=jnp.float32)
    g2 = jnp.ones((OUT_CH,), dtype=jnp.float32)
    be2 = jnp.zeros((OUT_CH,), dtype=jnp.float32)
    return {"x": x, "edge_index": edge_index, "W1": W1, "b1": b1, "g1": g1, "be1": be1, "W2": W2, "b2": b2, "g2": g2, "be2": be2}


def gcn_conv(x, edge_index, W, b):
    N = x.shape[0]
    loop = jnp.arange(N, dtype=edge_index.dtype)
    src = jnp.concatenate([edge_index[0], loop])
    dst = jnp.concatenate([edge_index[1], loop])
    xw = x @ W
    deg = jnp.zeros((N,), dtype=x.dtype).at[dst].add(1.0)
    dinv = jax.lax.rsqrt(jnp.maximum(deg, 1.0))
    norm = dinv[src] * dinv[dst]
    msg = xw[src] * norm[:, None]
    out = jnp.zeros((N, xw.shape[1]), dtype=x.dtype).at[dst].add(msg)
    return out + b


def batch_norm(x, gamma, beta, eps=1e-5):
    m = jnp.mean(x, axis=0)
    v = jnp.var(x, axis=0)
    return (x - m) * jax.lax.rsqrt(v + eps) * gamma + beta


def reference(x, edge_index, W1, b1, g1, be1, W2, b2, g2, be2):
    h = gcn_conv(x, edge_index, W1, b1)
    h = batch_norm(h, g1, be1)
    h = jax.nn.relu(h)
    # dropout is identity in eval mode
    h = gcn_conv(h, edge_index, W2, b2)
    h = batch_norm(h, g2, be2)
    return h

if __name__ == "__main__":
    import jax
    _d = setup_inputs()
    print(jax.jit(kernel)(*tuple(_d.values())))

</pallas_src>

<mosaic_0001>
#map = affine_map<(d0, d1) -> (0, 0)>
#map1 = affine_map<(d0, d1) -> (0, 0, 0, 0)>
#map2 = affine_map<(d0, d1) -> (0, 0, 0)>
module attributes {stable_mosaic.version = 14 : i64} {
  func.func @body(%arg0: i32, %arg1: i32, %arg2: memref<128x128xf32, #tpu.memory_space<hbm>>, %arg3: memref<2x16x80x128xi32, #tpu.memory_space<hbm>>, %arg4: memref<640x128xf32, #tpu.memory_space<hbm>>, %arg5: memref<2x10240x128xf32, #tpu.memory_space<hbm>>, %arg6: memref<8x128xi32, #tpu.memory_space<vmem>>, %arg7: memref<128x128xf32, #tpu.memory_space<vmem>>, %arg8: memref<10240x128xf32, #tpu.memory_space<vmem_shared>>) attributes {dimension_semantics = [#tpu.dimension_semantics<core_parallel>, #tpu.dimension_semantics<subcore_parallel>], iteration_bounds = array<i64: 2, 16>, scalar_prefetch = 0 : i64, scratch_operands = 3 : i64, tpu.core_type = #tpu.core_type<sc_vector_subcore>, window_params = [{transform_indices = #map}, {transform_indices = #map1}, {transform_indices = #map}, {transform_indices = #map2}]} {
    %mul3A = arith.constant 640 : i32
    %mul3A_0 = arith.muli %arg1, %mul3A : i32
    "tpu.region"() ({
      %run_scoped3A = tpu.sem_alloc : memref<!tpu.dma_semaphore, #tpu.memory_space<semaphore_mem>>
      %dma_start3A = arith.constant 0 : i32
      %dma_start3A_11 = tpu.memref_slice %arg8[%mul3A_0, %dma_start3A] : memref<10240x128xf32, #tpu.memory_space<vmem_shared>> -> memref<640x128xf32, #tpu.memory_space<vmem_shared>>
      tpu.enqueue_dma source(%arg4 : memref<640x128xf32, #tpu.memory_space<hbm>>) target(%dma_start3A_11 : memref<640x128xf32, #tpu.memory_space<vmem_shared>>) target_semaphore(%run_scoped3A : memref<!tpu.dma_semaphore, #tpu.memory_space<semaphore_mem>>)
      %dma_wait3A = arith.constant 0 : i32
      %dma_wait3A_12 = tpu.memref_slice %arg8[%mul3A_0, %dma_wait3A] : memref<10240x128xf32, #tpu.memory_space<vmem_shared>> -> memref<640x128xf32, #tpu.memory_space<vmem_shared>>
      tpu.wait_dma2 semaphore(%run_scoped3A : memref<!tpu.dma_semaphore, #tpu.memory_space<semaphore_mem>>) src(%arg4 : memref<640x128xf32, #tpu.memory_space<hbm>>) dst(%dma_wait3A_12 : memref<640x128xf32, #tpu.memory_space<vmem_shared>>)
      tpu.yield
    }) : () -> ()
    "tpu.region"() ({
      %run_scoped3A = tpu.sem_alloc : memref<!tpu.dma_semaphore, #tpu.memory_space<semaphore_mem>>
      tpu.enqueue_dma source(%arg2 : memref<128x128xf32, #tpu.memory_space<hbm>>) target(%arg7 : memref<128x128xf32, #tpu.memory_space<vmem>>) target_semaphore(%run_scoped3A : memref<!tpu.dma_semaphore, #tpu.memory_space<semaphore_mem>>)
      tpu.wait_dma2 semaphore(%run_scoped3A : memref<!tpu.dma_semaphore, #tpu.memory_space<semaphore_mem>>) src(%arg2 : memref<128x128xf32, #tpu.memory_space<hbm>>) dst(%arg7 : memref<128x128xf32, #tpu.memory_space<vmem>>)
      tpu.yield
    }) : () -> ()
    %barrier3A = arith.constant 0 : index
    tpu.barrier barrier_id(%barrier3A)
    %scan3A = arith.constant 0 : i32
    %scan3A_1 = arith.constant 0 : i32
    %scan3A_2 = arith.constant 10 : i32
    %scan3A_3 = arith.addi %scan3A_1, %scan3A_2 : i32
    %scan3A_4 = arith.constant 1 : i32
    scf.for %scan3A_11 = %scan3A_1 to %scan3A_3 step %scan3A_4  : i32 {
      %mul3A_12 = arith.constant 8 : i32
      %mul3A_13 = arith.muli %scan3A_11, %mul3A_12 : i32
      "tpu.region"() ({
        %run_scoped3A = tpu.sem_alloc : memref<!tpu.dma_semaphore, #tpu.memory_space<semaphore_mem>>
        %dma_start3A = arith.constant 0 : i32
        %dma_start3A_20 = tpu.memref_slice %arg3[%arg0, %arg1, %mul3A_13, %dma_start3A] : memref<2x16x80x128xi32, #tpu.memory_space<hbm>> -> memref<1x1x8x128xi32, #tpu.memory_space<hbm>>
        %dma_start3A_21 = tpu.memref_squeeze %dma_start3A_20 : memref<1x1x8x128xi32, #tpu.memory_space<hbm>> -> memref<8x128xi32, #tpu.memory_space<hbm>>
        %dma_start3A_22 = arith.constant 0 : i32
        %dma_start3A_23 = tpu.memref_slice %arg3[%arg0, %arg1, %mul3A_13, %dma_start3A_22] : memref<2x16x80x128xi32, #tpu.memory_space<hbm>> -> memref<1x1x8x128xi32, #tpu.memory_space<hbm>>
        %dma_start3A_24 = tpu.memref_squeeze %dma_start3A_23 : memref<1x1x8x128xi32, #tpu.memory_space<hbm>> -> memref<8x128xi32, #tpu.memory_space<hbm>>
        tpu.enqueue_dma source(%dma_start3A_24 : memref<8x128xi32, #tpu.memory_space<hbm>>) target(%arg6 : memref<8x128xi32, #tpu.memory_space<vmem>>) target_semaphore(%run_scoped3A : memref<!tpu.dma_semaphore, #tpu.memory_space<semaphore_mem>>)
        %dma_wait3A = arith.constant 0 : i32
        %dma_wait3A_25 = tpu.memref_slice %arg3[%arg0, %arg1, %mul3A_13, %dma_wait3A] : memref<2x16x80x128xi32, #tpu.memory_space<hbm>> -> memref<1x1x8x128xi32, #tpu.memory_space<hbm>>
        %dma_wait3A_26 = tpu.memref_squeeze %dma_wait3A_25 : memref<1x1x8x128xi32, #tpu.memory_space<hbm>> -> memref<8x128xi32, #tpu.memory_space<hbm>>
        %dma_wait3A_27 = arith.constant 0 : i32
        %dma_wait3A_28 = tpu.memref_slice %arg3[%arg0, %arg1, %mul3A_13, %dma_wait3A_27] : memref<2x16x80x128xi32, #tpu.memory_space<hbm>> -> memref<1x1x8x128xi32, #tpu.memory_space<hbm>>
        %dma_wait3A_29 = tpu.memref_squeeze %dma_wait3A_28 : memref<1x1x8x128xi32, #tpu.memory_space<hbm>> -> memref<8x128xi32, #tpu.memory_space<hbm>>
        tpu.wait_dma2 semaphore(%run_scoped3A : memref<!tpu.dma_semaphore, #tpu.memory_space<semaphore_mem>>) src(%dma_wait3A_29 : memref<8x128xi32, #tpu.memory_space<hbm>>) dst(%arg6 : memref<8x128xi32, #tpu.memory_space<vmem>>)
        tpu.yield
      }) : () -> ()
      %scan3A_14 = arith.constant 0 : i32
      %scan3A_15 = arith.constant 0 : i32
      %scan3A_16 = arith.constant 8 : i32
      %scan3A_17 = arith.addi %scan3A_15, %scan3A_16 : i32
      %scan3A_18 = arith.constant 1 : i32
      scf.for %scan3A_20 = %scan3A_15 to %scan3A_17 step %scan3A_18  : i32 {
        "tpu.region"() ({
          %run_scoped3A = tpu.sem_alloc : memref<!tpu.dma_semaphore, #tpu.memory_space<semaphore_mem>>
          %dma_start3A = arith.constant 0 : i32
          %dma_start3A_21 = tpu.memref_slice %arg6[%scan3A_20, %dma_start3A] : memref<8x128xi32, #tpu.memory_space<vmem>> -> memref<1x128xi32, #tpu.memory_space<vmem>>
          %dma_start3A_22 = tpu.memref_squeeze %dma_start3A_21 : memref<1x128xi32, #tpu.memory_space<vmem>> -> memref<128xi32, #tpu.memory_space<vmem>>
          %dma_start3A_23 = arith.constant 0 : i32
          %dma_start3A_24 = arith.constant 0 : i32
          %dma_start3A_25 = tpu.memref_slice %arg8[%dma_start3A_23, %dma_start3A_24] : memref<10240x128xf32, #tpu.memory_space<vmem_shared>> -> memref<10240x128xf32, #tpu.memory_space<vmem_shared>>
          tpu.enqueue_indirect_dma source(%arg7 : memref<128x128xf32, #tpu.memory_space<vmem>>) target(%dma_start3A_25 : memref<10240x128xf32, #tpu.memory_space<vmem_shared>>) offsets(%dma_start3A_22 : memref<128xi32, #tpu.memory_space<vmem>>) semaphore(%run_scoped3A : memref<!tpu.dma_semaphore, #tpu.memory_space<semaphore_mem>>) {add = true}
          %dma_wait3A = arith.constant 0 : i32
          %dma_wait3A_26 = tpu.memref_slice %arg6[%scan3A_20, %dma_wait3A] : memref<8x128xi32, #tpu.memory_space<vmem>> -> memref<1x128xi32, #tpu.memory_space<vmem>>
          %dma_wait3A_27 = tpu.memref_squeeze %dma_wait3A_26 : memref<1x128xi32, #tpu.memory_space<vmem>> -> memref<128xi32, #tpu.memory_space<vmem>>
          %dma_wait3A_28 = arith.constant 0 : i32
          %dma_wait3A_29 = arith.constant 0 : i32
          %dma_wait3A_30 = tpu.memref_slice %arg8[%dma_wait3A_28, %dma_wait3A_29] : memref<10240x128xf32, #tpu.memory_space<vmem_shared>> -> memref<10240x128xf32, #tpu.memory_space<vmem_shared>>
          tpu.wait_indirect_dma semaphore(%run_scoped3A : memref<!tpu.dma_semaphore, #tpu.memory_space<semaphore_mem>>) src(%arg7 : memref<128x128xf32, #tpu.memory_space<vmem>>) dst(%dma_wait3A_30 : memref<10240x128xf32, #tpu.memory_space<vmem_shared>>)
          tpu.yield
        }) : () -> ()
      }
      %scan3A_19 = arith.constant 8 : i32
    }
    %scan3A_5 = arith.constant 10 : i32
    %barrier3A_6 = arith.constant 0 : index
    tpu.barrier barrier_id(%barrier3A_6)
    %mul3A_7 = arith.constant 640 : i32
    %mul3A_8 = arith.muli %arg1, %mul3A_7 : i32
    %mul3A_9 = arith.constant 640 : i32
    %mul3A_10 = arith.muli %arg1, %mul3A_9 : i32
    "tpu.region"() ({
      %run_scoped3A = tpu.sem_alloc : memref<!tpu.dma_semaphore, #tpu.memory_space<semaphore_mem>>
      %dma_start3A = arith.constant 0 : i32
      %dma_start3A_11 = tpu.memref_slice %arg5[%arg0, %mul3A_10, %dma_start3A] : memref<2x10240x128xf32, #tpu.memory_space<hbm>> -> memref<1x640x128xf32, #tpu.memory_space<hbm>>
      %dma_start3A_12 = tpu.memref_squeeze %dma_start3A_11 : memref<1x640x128xf32, #tpu.memory_space<hbm>> -> memref<640x128xf32, #tpu.memory_space<hbm>>
      %dma_start3A_13 = arith.constant 0 : i32
      %dma_start3A_14 = tpu.memref_slice %arg8[%mul3A_8, %dma_start3A_13] : memref<10240x128xf32, #tpu.memory_space<vmem_shared>> -> memref<640x128xf32, #tpu.memory_space<vmem_shared>>
      tpu.enqueue_dma source(%dma_start3A_14 : memref<640x128xf32, #tpu.memory_space<vmem_shared>>) target(%dma_start3A_12 : memref<640x128xf32, #tpu.memory_space<hbm>>) target_semaphore(%run_scoped3A : memref<!tpu.dma_semaphore, #tpu.memory_space<semaphore_mem>>)
      %dma_wait3A = arith.constant 0 : i32
      %dma_wait3A_15 = tpu.memref_slice %arg5[%arg0, %mul3A_10, %dma_wait3A] : memref<2x10240x128xf32, #tpu.memory_space<hbm>> -> memref<1x640x128xf32, #tpu.memory_space<hbm>>
      %dma_wait3A_16 = tpu.memref_squeeze %dma_wait3A_15 : memref<1x640x128xf32, #tpu.memory_space<hbm>> -> memref<640x128xf32, #tpu.memory_space<hbm>>
      %dma_wait3A_17 = arith.constant 0 : i32
      %dma_wait3A_18 = tpu.memref_slice %arg8[%mul3A_8, %dma_wait3A_17] : memref<10240x128xf32, #tpu.memory_space<vmem_shared>> -> memref<640x128xf32, #tpu.memory_space<vmem_shared>>
      tpu.wait_dma2 semaphore(%run_scoped3A : memref<!tpu.dma_semaphore, #tpu.memory_space<semaphore_mem>>) src(%dma_wait3A_18 : memref<640x128xf32, #tpu.memory_space<vmem_shared>>) dst(%dma_wait3A_16 : memref<640x128xf32, #tpu.memory_space<hbm>>)
      tpu.yield
    }) : () -> ()
    return
  }
}

#map = affine_map<(d0, d1) -> (0, 0, 0)>
#map1 = affine_map<(d0, d1) -> (0, 0, 0, 0, 0)>
#map2 = affine_map<(d0, d1) -> (0, 0)>
module attributes {stable_mosaic.version = 14 : i64} {
  func.func @body(%arg0: i32, %arg1: i32, %arg2: memref<1x10240x128xf32, #tpu.memory_space<hbm>>, %arg3: memref<2x16x64x1x160xi32, #tpu.memory_space<hbm>>, %arg4: memref<2x16x64x1x160xi32, #tpu.memory_space<hbm>>, %arg5: memref<640x128xf32, #tpu.memory_space<hbm>>, %arg6: memref<2x10240x128xf32, #tpu.memory_space<hbm>>, %arg7: memref<8x1x160xi32, #tpu.memory_space<vmem>>, %arg8: memref<8x1x160xi32, #tpu.memory_space<vmem>>, %arg9: memref<1x160x128xf32, #tpu.memory_space<vmem>>, %arg10: memref<1x160x128xf32, #tpu.memory_space<vmem>>, %arg11: memref<1x10240x128xf32, #tpu.memory_space<vmem_shared>>, %arg12: memref<!tpu.dma_semaphore, #tpu.memory_space<semaphore_mem>>, %arg13: memref<!tpu.dma_semaphore, #tpu.memory_space<semaphore_mem>>) attributes {dimension_semantics = [#tpu.dimension_semantics<core_parallel>, #tpu.dimension_semantics<subcore_parallel>], iteration_bounds = array<i64: 2, 16>, scalar_prefetch = 0 : i64, scratch_operands = 7 : i64, tpu.core_type = #tpu.core_type<sc_vector_subcore>, window_params = [{transform_indices = #map}, {transform_indices = #map1}, {transform_indices = #map1}, {transform_indices = #map2}, {transform_indices = #map}]} {
    %mul3A = arith.constant 640 : i32
    %mul3A_0 = arith.muli %arg1, %mul3A : i32
    %run_scoped3A = arith.constant 0 : i32
    "tpu.region"() ({
      %run_scoped3A_12 = tpu.sem_alloc : memref<!tpu.dma_semaphore, #tpu.memory_space<semaphore_mem>>
      %dma_start3A = arith.constant 0 : i32
      %dma_start3A_13 = tpu.memref_slice %arg11[%run_scoped3A, %mul3A_0, %dma_start3A] : memref<1x10240x128xf32, #tpu.memory_space<vmem_shared>> -> memref<1x640x128xf32, #tpu.memory_space<vmem_shared>>
      %dma_start3A_14 = tpu.memref_squeeze %dma_start3A_13 : memref<1x640x128xf32, #tpu.memory_space<vmem_shared>> -> memref<640x128xf32, #tpu.memory_space<vmem_shared>>
      tpu.enqueue_dma source(%arg5 : memref<640x128xf32, #tpu.memory_space<hbm>>) target(%dma_start3A_14 : memref<640x128xf32, #tpu.memory_space<vmem_shared>>) target_semaphore(%run_scoped3A_12 : memref<!tpu.dma_semaphore, #tpu.memory_space<semaphore_mem>>)
      %dma_wait3A = arith.constant 0 : i32
      %dma_wait3A_15 = tpu.memref_slice %arg11[%run_scoped3A, %mul3A_0, %dma_wait3A] : memref<1x10240x128xf32, #tpu.memory_space<vmem_shared>> -> memref<1x640x128xf32, #tpu.memory_space<vmem_shared>>
      %dma_wait3A_16 = tpu.memref_squeeze %dma_wait3A_15 : memref<1x640x128xf32, #tpu.memory_space<vmem_shared>> -> memref<640x128xf32, #tpu.memory_space<vmem_shared>>
      tpu.wait_dma2 semaphore(%run_scoped3A_12 : memref<!tpu.dma_semaphore, #tpu.memory_space<semaphore_mem>>) src(%arg5 : memref<640x128xf32, #tpu.memory_space<hbm>>) dst(%dma_wait3A_16 : memref<640x128xf32, #tpu.memory_space<vmem_shared>>)
      tpu.yield
    }) : () -> ()
    %barrier3A = arith.constant 0 : index
    tpu.barrier barrier_id(%barrier3A)
    %scan3A = arith.constant 0 : i32
    %scan3A_1 = arith.constant 0 : i32
    %scan3A_2 = arith.constant 8 : i32
    %scan3A_3 = arith.addi %scan3A_1, %scan3A_2 : i32
    %scan3A_4 = arith.constant 1 : i32
    scf.for %scan3A_12 = %scan3A_1 to %scan3A_3 step %scan3A_4  : i32 {
      %mul3A_13 = arith.constant 8 : i32
      %mul3A_14 = arith.muli %scan3A_12, %mul3A_13 : i32
      "tpu.region"() ({
        %run_scoped3A_31 = tpu.sem_alloc : memref<!tpu.dma_semaphore, #tpu.memory_space<semaphore_mem>>
        %dma_start3A_32 = arith.constant 0 : i32
        %dma_start3A_33 = arith.constant 0 : i32
        %dma_start3A_34 = tpu.memref_slice %arg3[%arg0, %arg1, %mul3A_14, %dma_start3A_32, %dma_start3A_33] : memref<2x16x64x1x160xi32, #tpu.memory_space<hbm>> -> memref<1x1x8x1x160xi32, #tpu.memory_space<hbm>>
        %dma_start3A_35 = tpu.memref_squeeze %dma_start3A_34 : memref<1x1x8x1x160xi32, #tpu.memory_space<hbm>> -> memref<8x1x160xi32, #tpu.memory_space<hbm>>
        %dma_start3A_36 = arith.constant 0 : i32
        %dma_start3A_37 = arith.constant 0 : i32
        %dma_start3A_38 = tpu.memref_slice %arg3[%arg0, %arg1, %mul3A_14, %dma_start3A_36, %dma_start3A_37] : memref<2x16x64x1x160xi32, #tpu.memory_space<hbm>> -> memref<1x1x8x1x160xi32, #tpu.memory_space<hbm>>
        %dma_start3A_39 = tpu.memref_squeeze %dma_start3A_38 : memref<1x1x8x1x160xi32, #tpu.memory_space<hbm>> -> memref<8x1x160xi32, #tpu.memory_space<hbm>>
        tpu.enqueue_dma source(%dma_start3A_39 : memref<8x1x160xi32, #tpu.memory_space<hbm>>) target(%arg7 : memref<8x1x160xi32, #tpu.memory_space<vmem>>) target_semaphore(%run_scoped3A_31 : memref<!tpu.dma_semaphore, #tpu.memory_space<semaphore_mem>>)
        %dma_wait3A = arith.constant 0 : i32
        %dma_wait3A_40 = arith.constant 0 : i32
        %dma_wait3A_41 = tpu.memref_slice %arg3[%arg0, %arg1, %mul3A_14, %dma_wait3A, %dma_wait3A_40] : memref<2x16x64x1x160xi32, #tpu.memory_space<hbm>> -> memref<1x1x8x1x160xi32, #tpu.memory_space<hbm>>
        %dma_wait3A_42 = tpu.memref_squeeze %dma_wait3A_41 : memref<1x1x8x1x160xi32, #tpu.memory_space<hbm>> -> memref<8x1x160xi32, #tpu.memory_space<hbm>>
        %dma_wait3A_43 = arith.constant 0 : i32
        %dma_wait3A_44 = arith.constant 0 : i32
        %dma_wait3A_45 = tpu.memref_slice %arg3[%arg0, %arg1, %mul3A_14, %dma_wait3A_43, %dma_wait3A_44] : memref<2x16x64x1x160xi32, #tpu.memory_space<hbm>> -> memref<1x1x8x1x160xi32, #tpu.memory_space<hbm>>
        %dma_wait3A_46 = tpu.memref_squeeze %dma_wait3A_45 : memref<1x1x8x1x160xi32, #tpu.memory_space<hbm>> -> memref<8x1x160xi32, #tpu.memory_space<hbm>>
        tpu.wait_dma2 semaphore(%run_scoped3A_31 : memref<!tpu.dma_semaphore, #tpu.memory_space<semaphore_mem>>) src(%dma_wait3A_46 : memref<8x1x160xi32, #tpu.memory_space<hbm>>) dst(%arg7 : memref<8x1x160xi32, #tpu.memory_space<vmem>>)
        tpu.yield
      }) : () -> ()
      %mul3A_15 = arith.constant 8 : i32
      %mul3A_16 = arith.muli %scan3A_12, %mul3A_15 : i32
      "tpu.region"() ({
        %run_scoped3A_31 = tpu.sem_alloc : memref<!tpu.dma_semaphore, #tpu.memory_space<semaphore_mem>>
        %dma_start3A_32 = arith.constant 0 : i32
        %dma_start3A_33 = arith.constant 0 : i32
        %dma_start3A_34 = tpu.memref_slice %arg4[%arg0, %arg1, %mul3A_16, %dma_start3A_32, %dma_start3A_33] : memref<2x16x64x1x160xi32, #tpu.memory_space<hbm>> -> memref<1x1x8x1x160xi32, #tpu.memory_space<hbm>>
        %dma_start3A_35 = tpu.memref_squeeze %dma_start3A_34 : memref<1x1x8x1x160xi32, #tpu.memory_space<hbm>> -> memref<8x1x160xi32, #tpu.memory_space<hbm>>
        %dma_start3A_36 = arith.constant 0 : i32
        %dma_start3A_37 = arith.constant 0 : i32
        %dma_start3A_38 = tpu.memref_slice %arg4[%arg0, %arg1, %mul3A_16, %dma_start3A_36, %dma_start3A_37] : memref<2x16x64x1x160xi32, #tpu.memory_space<hbm>> -> memref<1x1x8x1x160xi32, #tpu.memory_space<hbm>>
        %dma_start3A_39 = tpu.memref_squeeze %dma_start3A_38 : memref<1x1x8x1x160xi32, #tpu.memory_space<hbm>> -> memref<8x1x160xi32, #tpu.memory_space<hbm>>
        tpu.enqueue_dma source(%dma_start3A_39 : memref<8x1x160xi32, #tpu.memory_space<hbm>>) target(%arg8 : memref<8x1x160xi32, #tpu.memory_space<vmem>>) target_semaphore(%run_scoped3A_31 : memref<!tpu.dma_semaphore, #tpu.memory_space<semaphore_mem>>)
        %dma_wait3A = arith.constant 0 : i32
        %dma_wait3A_40 = arith.constant 0 : i32
        %dma_wait3A_41 = tpu.memref_slice %arg4[%arg0, %arg1, %mul3A_16, %dma_wait3A, %dma_wait3A_40] : memref<2x16x64x1x160xi32, #tpu.memory_space<hbm>> -> memref<1x1x8x1x160xi32, #tpu.memory_space<hbm>>
        %dma_wait3A_42 = tpu.memref_squeeze %dma_wait3A_41 : memref<1x1x8x1x160xi32, #tpu.memory_space<hbm>> -> memref<8x1x160xi32, #tpu.memory_space<hbm>>
        %dma_wait3A_43 = arith.constant 0 : i32
        %dma_wait3A_44 = arith.constant 0 : i32
        %dma_wait3A_45 = tpu.memref_slice %arg4[%arg0, %arg1, %mul3A_16, %dma_wait3A_43, %dma_wait3A_44] : memref<2x16x64x1x160xi32, #tpu.memory_space<hbm>> -> memref<1x1x8x1x160xi32, #tpu.memory_space<hbm>>
        %dma_wait3A_46 = tpu.memref_squeeze %dma_wait3A_45 : memref<1x1x8x1x160xi32, #tpu.memory_space<hbm>> -> memref<8x1x160xi32, #tpu.memory_space<hbm>>
        tpu.wait_dma2 semaphore(%run_scoped3A_31 : memref<!tpu.dma_semaphore, #tpu.memory_space<semaphore_mem>>) src(%dma_wait3A_46 : memref<8x1x160xi32, #tpu.memory_space<hbm>>) dst(%arg8 : memref<8x1x160xi32, #tpu.memory_space<vmem>>)
        tpu.yield
      }) : () -> ()
      %dma_start3A = arith.constant 0 : i32
      %dma_start3A_17 = arith.constant 0 : i32
      %dma_start3A_18 = arith.constant 0 : i32
      %dma_start3A_19 = tpu.memref_slice %arg7[%dma_start3A, %dma_start3A_17, %dma_start3A_18] : memref<8x1x160xi32, #tpu.memory_space<vmem>> -> memref<1x1x160xi32, #tpu.memory_space<vmem>>
      %dma_start3A_20 = tpu.memref_squeeze %dma_start3A_19 : memref<1x1x160xi32, #tpu.memory_space<vmem>> -> memref<1x160xi32, #tpu.memory_space<vmem>>
      %dma_start3A_21 = arith.constant 0 : i32
      %dma_start3A_22 = arith.constant 0 : i32
      %dma_start3A_23 = arith.constant 0 : i32
      %dma_start3A_24 = tpu.memref_slice %arg2[%dma_start3A_21, %dma_start3A_22, %dma_start3A_23] : memref<1x10240x128xf32, #tpu.memory_space<hbm>> -> memref<1x10240x128xf32, #tpu.memory_space<hbm>>
      tpu.enqueue_indirect_dma source(%dma_start3A_24 : memref<1x10240x128xf32, #tpu.memory_space<hbm>>) target(%arg9 : memref<1x160x128xf32, #tpu.memory_space<vmem>>) offsets(%dma_start3A_20 : memref<1x160xi32, #tpu.memory_space<vmem>>) semaphore(%arg12 : memref<!tpu.dma_semaphore, #tpu.memory_space<semaphore_mem>>)
      %scan3A_25 = arith.constant 0 : i32
      %scan3A_26 = arith.constant 0 : i32
      %scan3A_27 = arith.constant 4 : i32
      %scan3A_28 = arith.addi %scan3A_26, %scan3A_27 : i32
      %scan3A_29 = arith.constant 1 : i32
      scf.for %scan3A_31 = %scan3A_26 to %scan3A_28 step %scan3A_29  : i32 {
        %mul3A_32 = arith.constant 2 : i32
        %mul3A_33 = arith.muli %mul3A_32, %scan3A_31 : i32
        %add3A = arith.constant 1 : i32
        %add3A_34 = arith.addi %mul3A_33, %add3A : i32
        %dma_start3A_35 = arith.constant 0 : i32
        %dma_start3A_36 = arith.constant 0 : i32
        %dma_start3A_37 = tpu.memref_slice %arg7[%add3A_34, %dma_start3A_35, %dma_start3A_36] : memref<8x1x160xi32, #tpu.memory_space<vmem>> -> memref<1x1x160xi32, #tpu.memory_space<vmem>>
        %dma_start3A_38 = tpu.memref_squeeze %dma_start3A_37 : memref<1x1x160xi32, #tpu.memory_space<vmem>> -> memref<1x160xi32, #tpu.memory_space<vmem>>
        %dma_start3A_39 = arith.constant 0 : i32
        %dma_start3A_40 = arith.constant 0 : i32
        %dma_start3A_41 = arith.constant 0 : i32
        %dma_start3A_42 = tpu.memref_slice %arg2[%dma_start3A_39, %dma_start3A_40, %dma_start3A_41] : memref<1x10240x128xf32, #tpu.memory_space<hbm>> -> memref<1x10240x128xf32, #tpu.memory_space<hbm>>
        tpu.enqueue_indirect_dma source(%dma_start3A_42 : memref<1x10240x128xf32, #tpu.memory_space<hbm>>) target(%arg10 : memref<1x160x128xf32, #tpu.memory_space<vmem>>) offsets(%dma_start3A_38 : memref<1x160xi32, #tpu.memory_space<vmem>>) semaphore(%arg13 : memref<!tpu.dma_semaphore, #tpu.memory_space<semaphore_mem>>)
        %dma_wait3A = arith.constant 0 : i32
        %dma_wait3A_43 = arith.constant 0 : i32
        %dma_wait3A_44 = tpu.memref_slice %arg7[%mul3A_33, %dma_wait3A, %dma_wait3A_43] : memref<8x1x160xi32, #tpu.memory_space<vmem>> -> memref<1x1x160xi32, #tpu.memory_space<vmem>>
        %dma_wait3A_45 = tpu.memref_squeeze %dma_wait3A_44 : memref<1x1x160xi32, #tpu.memory_space<vmem>> -> memref<1x160xi32, #tpu.memory_space<vmem>>
        %dma_wait3A_46 = arith.constant 0 : i32
        %dma_wait3A_47 = arith.constant 0 : i32
        %dma_wait3A_48 = arith.constant 0 : i32
        %dma_wait3A_49 = tpu.memref_slice %arg2[%dma_wait3A_46, %dma_wait3A_47, %dma_wait3A_48] : memref<1x10240x128xf32, #tpu.memory_space<hbm>> -> memref<1x10240x128xf32, #tpu.memory_space<hbm>>
        tpu.wait_indirect_dma semaphore(%arg12 : memref<!tpu.dma_semaphore, #tpu.memory_space<semaphore_mem>>) src(%dma_wait3A_49 : memref<1x10240x128xf32, #tpu.memory_space<hbm>>) dst(%arg9 : memref<1x160x128xf32, #tpu.memory_space<vmem>>)
        "tpu.region"() ({
          %run_scoped3A_62 = tpu.sem_alloc : memref<!tpu.dma_semaphore, #tpu.memory_space<semaphore_mem>>
          %dma_start3A_63 = arith.constant 0 : i32
          %dma_start3A_64 = arith.constant 0 : i32
          %dma_start3A_65 = tpu.memref_slice %arg8[%mul3A_33, %dma_start3A_63, %dma_start3A_64] : memref<8x1x160xi32, #tpu.memory_space<vmem>> -> memref<1x1x160xi32, #tpu.memory_space<vmem>>
          %dma_start3A_66 = tpu.memref_squeeze %dma_start3A_65 : memref<1x1x160xi32, #tpu.memory_space<vmem>> -> memref<1x160xi32, #tpu.memory_space<vmem>>
          %dma_start3A_67 = arith.constant 0 : i32
          %dma_start3A_68 = arith.constant 0 : i32
          %dma_start3A_69 = arith.constant 0 : i32
          %dma_start3A_70 = tpu.memref_slice %arg11[%dma_start3A_67, %dma_start3A_68, %dma_start3A_69] : memref<1x10240x128xf32, #tpu.memory_space<vmem_shared>> -> memref<1x10240x128xf32, #tpu.memory_space<vmem_shared>>
          tpu.enqueue_indirect_dma source(%arg9 : memref<1x160x128xf32, #tpu.memory_space<vmem>>) target(%dma_start3A_70 : memref<1x10240x128xf32, #tpu.memory_space<vmem_shared>>) offsets(%dma_start3A_66 : memref<1x160xi32, #tpu.memory_space<vmem>>) semaphore(%run_scoped3A_62 : memref<!tpu.dma_semaphore, #tpu.memory_space<semaphore_mem>>) {add = true}
          %dma_wait3A_71 = arith.constant 0 : i32
          %dma_wait3A_72 = arith.constant 0 : i32
          %dma_wait3A_73 = tpu.memref_slice %arg8[%mul3A_33, %dma_wait3A_71, %dma_wait3A_72] : memref<8x1x160xi32, #tpu.memory_space<vmem>> -> memref<1x1x160xi32, #tpu.memory_space<vmem>>
          %dma_wait3A_74 = tpu.memref_squeeze %dma_wait3A_73 : memref<1x1x160xi32, #tpu.memory_space<vmem>> -> memref<1x160xi32, #tpu.memory_space<vmem>>
          %dma_wait3A_75 = arith.constant 0 : i32
          %dma_wait3A_76 = arith.constant 0 : i32
          %dma_wait3A_77 = arith.constant 0 : i32
          %dma_wait3A_78 = tpu.memref_slice %arg11[%dma_wait3A_75, %dma_wait3A_76, %dma_wait3A_77] : memref<1x10240x128xf32, #tpu.memory_space<vmem_shared>> -> memref<1x10240x128xf32, #tpu.memory_space<vmem_shared>>
          tpu.wait_indirect_dma semaphore(%run_scoped3A_62 : memref<!tpu.dma_semaphore, #tpu.memory_space<semaphore_mem>>) src(%arg9 : memref<1x160x128xf32, #tpu.memory_space<vmem>>) dst(%dma_wait3A_78 : memref<1x10240x128xf32, #tpu.memory_space<vmem_shared>>)
          tpu.yield
        }) : () -> ()
        %add3A_50 = arith.constant 2 : i32
        %add3A_51 = arith.addi %mul3A_33, %add3A_50 : i32
        %lt3A = arith.constant 8 : i32
        %lt3A_52 = arith.cmpi slt, %add3A_51, %lt3A : i32
        %convert_element_type3A = arith.extui %lt3A_52 : i1 to i32
        %cond3A = arith.constant 0 : i32
        %cond3A_53 = arith.cmpi ne, %convert_element_type3A, %cond3A : i32
        scf.if %cond3A_53 {
          %add3A_62 = arith.constant 2 : i32
          %add3A_63 = arith.addi %mul3A_33, %add3A_62 : i32
          %dma_start3A_64 = arith.constant 0 : i32
          %dma_start3A_65 = arith.constant 0 : i32
          %dma_start3A_66 = tpu.memref_slice %arg7[%add3A_63, %dma_start3A_64, %dma_start3A_65] : memref<8x1x160xi32, #tpu.memory_space<vmem>> -> memref<1x1x160xi32, #tpu.memory_space<vmem>>
          %dma_start3A_67 = tpu.memref_squeeze %dma_start3A_66 : memref<1x1x160xi32, #tpu.memory_space<vmem>> -> memref<1x160xi32, #tpu.memory_space<vmem>>
          %dma_start3A_68 = arith.constant 0 : i32
          %dma_start3A_69 = arith.constant 0 : i32
          %dma_start3A_70 = arith.constant 0 : i32
          %dma_start3A_71 = tpu.memref_slice %arg2[%dma_start3A_68, %dma_start3A_69, %dma_start3A_70] : memref<1x10240x128xf32, #tpu.memory_space<hbm>> -> memref<1x10240x128xf32, #tpu.memory_space<hbm>>
          tpu.enqueue_indirect_dma source(%dma_start3A_71 : memref<1x10240x128xf32, #tpu.memory_space<hbm>>) target(%arg9 : memref<1x160x128xf32, #tpu.memory_space<vmem>>) offsets(%dma_start3A_67 : memref<1x160xi32, #tpu.memory_space<vmem>>) semaphore(%arg12 : memref<!tpu.dma_semaphore, #tpu.memory_space<semaphore_mem>>)
        } else {
        }
        %dma_wait3A_54 = arith.constant 0 : i32
        %dma_wait3A_55 = arith.constant 0 : i32
        %dma_wait3A_56 = tpu.memref_slice %arg7[%add3A_34, %dma_wait3A_54, %dma_wait3A_55] : memref<8x1x160xi32, #tpu.memory_space<vmem>> -> memref<1x1x160xi32, #tpu.memory_space<vmem>>
        %dma_wait3A_57 = tpu.memref_squeeze %dma_wait3A_56 : memref<1x1x160xi32, #tpu.memory_space<vmem>> -> memref<1x160xi32, #tpu.memory_space<vmem>>
        %dma_wait3A_58 = arith.constant 0 : i32
        %dma_wait3A_59 = arith.constant 0 : i32
        %dma_wait3A_60 = arith.constant 0 : i32
        %dma_wait3A_61 = tpu.memref_slice %arg2[%dma_wait3A_58, %dma_wait3A_59, %dma_wait3A_60] : memref<1x10240x128xf32, #tpu.memory_space<hbm>> -> memref<1x10240x128xf32, #tpu.memory_space<hbm>>
        tpu.wait_indirect_dma semaphore(%arg13 : memref<!tpu.dma_semaphore, #tpu.memory_space<semaphore_mem>>) src(%dma_wait3A_61 : memref<1x10240x128xf32, #tpu.memory_space<hbm>>) dst(%arg10 : memref<1x160x128xf32, #tpu.memory_space<vmem>>)
        "tpu.region"() ({
          %run_scoped3A_62 = tpu.sem_alloc : memref<!tpu.dma_semaphore, #tpu.memory_space<semaphore_mem>>
          %dma_start3A_63 = arith.constant 0 : i32
          %dma_start3A_64 = arith.constant 0 : i32
          %dma_start3A_65 = tpu.memref_slice %arg8[%add3A_34, %dma_start3A_63, %dma_start3A_64] : memref<8x1x160xi32, #tpu.memory_space<vmem>> -> memref<1x1x160xi32, #tpu.memory_space<vmem>>
          %dma_start3A_66 = tpu.memref_squeeze %dma_start3A_65 : memref<1x1x160xi32, #tpu.memory_space<vmem>> -> memref<1x160xi32, #tpu.memory_space<vmem>>
          %dma_start3A_67 = arith.constant 0 : i32
          %dma_start3A_68 = arith.constant 0 : i32
          %dma_start3A_69 = arith.constant 0 : i32
          %dma_start3A_70 = tpu.memref_slice %arg11[%dma_start3A_67, %dma_start3A_68, %dma_start3A_69] : memref<1x10240x128xf32, #tpu.memory_space<vmem_shared>> -> memref<1x10240x128xf32, #tpu.memory_space<vmem_shared>>
          tpu.enqueue_indirect_dma source(%arg10 : memref<1x160x128xf32, #tpu.memory_space<vmem>>) target(%dma_start3A_70 : memref<1x10240x128xf32, #tpu.memory_space<vmem_shared>>) offsets(%dma_start3A_66 : memref<1x160xi32, #tpu.memory_space<vmem>>) semaphore(%run_scoped3A_62 : memref<!tpu.dma_semaphore, #tpu.memory_space<semaphore_mem>>) {add = true}
          %dma_wait3A_71 = arith.constant 0 : i32
          %dma_wait3A_72 = arith.constant 0 : i32
          %dma_wait3A_73 = tpu.memref_slice %arg8[%add3A_34, %dma_wait3A_71, %dma_wait3A_72] : memref<8x1x160xi32, #tpu.memory_space<vmem>> -> memref<1x1x160xi32, #tpu.memory_space<vmem>>
          %dma_wait3A_74 = tpu.memref_squeeze %dma_wait3A_73 : memref<1x1x160xi32, #tpu.memory_space<vmem>> -> memref<1x160xi32, #tpu.memory_space<vmem>>
          %dma_wait3A_75 = arith.constant 0 : i32
          %dma_wait3A_76 = arith.constant 0 : i32
          %dma_wait3A_77 = arith.constant 0 : i32
          %dma_wait3A_78 = tpu.memref_slice %arg11[%dma_wait3A_75, %dma_wait3A_76, %dma_wait3A_77] : memref<1x10240x128xf32, #tpu.memory_space<vmem_shared>> -> memref<1x10240x128xf32, #tpu.memory_space<vmem_shared>>
          tpu.wait_indirect_dma semaphore(%run_scoped3A_62 : memref<!tpu.dma_semaphore, #tpu.memory_space<semaphore_mem>>) src(%arg10 : memref<1x160x128xf32, #tpu.memory_space<vmem>>) dst(%dma_wait3A_78 : memref<1x10240x128xf32, #tpu.memory_space<vmem_shared>>)
          tpu.yield
        }) : () -> ()
      }
      %scan3A_30 = arith.constant 4 : i32
    }
    %scan3A_5 = arith.constant 8 : i32
    %barrier3A_6 = arith.constant 0 : index
    tpu.barrier barrier_id(%barrier3A_6)
    %mul3A_7 = arith.constant 640 : i32
    %mul3A_8 = arith.muli %arg1, %mul3A_7 : i32
    %mul3A_9 = arith.constant 640 : i32
    %mul3A_10 = arith.muli %arg1, %mul3A_9 : i32
    %run_scoped3A_11 = arith.constant 0 : i32
    "tpu.region"() ({
      %run_scoped3A_12 = tpu.sem_alloc : memref<!tpu.dma_semaphore, #tpu.memory_space<semaphore_mem>>
      %dma_start3A = arith.constant 0 : i32
      %dma_start3A_13 = tpu.memref_slice %arg6[%arg0, %mul3A_10, %dma_start3A] : memref<2x10240x128xf32, #tpu.memory_space<hbm>> -> memref<1x640x128xf32, #tpu.memory_space<hbm>>
      %dma_start3A_14 = tpu.memref_squeeze %dma_start3A_13 : memref<1x640x128xf32, #tpu.memory_space<hbm>> -> memref<640x128xf32, #tpu.memory_space<hbm>>
      %dma_start3A_15 = arith.constant 0 : i32
      %dma_start3A_16 = tpu.memref_slice %arg11[%run_scoped3A_11, %mul3A_8, %dma_start3A_15] : memref<1x10240x128xf32, #tpu.memory_space<vmem_shared>> -> memref<1x640x128xf32, #tpu.memory_space<vmem_shared>>
      %dma_start3A_17 = tpu.memref_squeeze %dma_start3A_16 : memref<1x640x128xf32, #tpu.memory_space<vmem_shared>> -> memref<640x128xf32, #tpu.memory_space<vmem_shared>>
      tpu.enqueue_dma source(%dma_start3A_17 : memref<640x128xf32, #tpu.memory_space<vmem_shared>>) target(%dma_start3A_14 : memref<640x128xf32, #tpu.memory_space<hbm>>) target_semaphore(%run_scoped3A_12 : memref<!tpu.dma_semaphore, #tpu.memory_space<semaphore_mem>>)
      %dma_wait3A = arith.constant 0 : i32
      %dma_wait3A_18 = tpu.memref_slice %arg6[%arg0, %mul3A_10, %dma_wait3A] : memref<2x10240x128xf32, #tpu.memory_space<hbm>> -> memref<1x640x128xf32, #tpu.memory_space<hbm>>
      %dma_wait3A_19 = tpu.memref_squeeze %dma_wait3A_18 : memref<1x640x128xf32, #tpu.memory_space<hbm>> -> memref<640x128xf32, #tpu.memory_space<hbm>>
      %dma_wait3A_20 = arith.constant 0 : i32
      %dma_wait3A_21 = tpu.memref_slice %arg11[%run_scoped3A_11, %mul3A_8, %dma_wait3A_20] : memref<1x10240x128xf32, #tpu.memory_space<vmem_shared>> -> memref<1x640x128xf32, #tpu.memory_space<vmem_shared>>
      %dma_wait3A_22 = tpu.memref_squeeze %dma_wait3A_21 : memref<1x640x128xf32, #tpu.memory_space<vmem_shared>> -> memref<640x128xf32, #tpu.memory_space<vmem_shared>>
      tpu.wait_dma2 semaphore(%run_scoped3A_12 : memref<!tpu.dma_semaphore, #tpu.memory_space<semaphore_mem>>) src(%dma_wait3A_22 : memref<640x128xf32, #tpu.memory_space<vmem_shared>>) dst(%dma_wait3A_19 : memref<640x128xf32, #tpu.memory_space<hbm>>)
      tpu.yield
    }) : () -> ()
    return
  }
}

#map = affine_map<(d0, d1) -> (0, 0, 0)>
#map1 = affine_map<(d0, d1) -> (0, 0, 0, 0, 0)>
#map2 = affine_map<(d0, d1) -> (0, 0)>
module attributes {stable_mosaic.version = 14 : i64} {
  func.func @body(%arg0: i32, %arg1: i32, %arg2: memref<1x20480x128xf32, #tpu.memory_space<hbm>>, %arg3: memref<2x16x128x1x160xi32, #tpu.memory_space<hbm>>, %arg4: memref<2x16x128x1x160xi32, #tpu.memory_space<hbm>>, %arg5: memref<640x128xf32, #tpu.memory_space<hbm>>, %arg6: memref<2x10240x128xf32, #tpu.memory_space<hbm>>, %arg7: memref<8x1x160xi32, #tpu.memory_space<vmem>>, %arg8: memref<8x1x160xi32, #tpu.memory_space<vmem>>, %arg9: memref<1x160x128xf32, #tpu.memory_space<vmem>>, %arg10: memref<1x160x128xf32, #tpu.memory_space<vmem>>, %arg11: memref<1x10240x128xf32, #tpu.memory_space<vmem_shared>>, %arg12: memref<!tpu.dma_semaphore, #tpu.memory_space<semaphore_mem>>, %arg13: memref<!tpu.dma_semaphore, #tpu.memory_space<semaphore_mem>>) attributes {dimension_semantics = [#tpu.dimension_semantics<core_parallel>, #tpu.dimension_semantics<subcore_parallel>], iteration_bounds = array<i64: 2, 16>, scalar_prefetch = 0 : i64, scratch_operands = 7 : i64, tpu.core_type = #tpu.core_type<sc_vector_subcore>, window_params = [{transform_indices = #map}, {transform_indices = #map1}, {transform_indices = #map1}, {transform_indices = #map2}, {transform_indices = #map}]} {
    %mul3A = arith.constant 640 : i32
    %mul3A_0 = arith.muli %arg1, %mul3A : i32
    %run_scoped3A = arith.constant 0 : i32
    "tpu.region"() ({
      %run_scoped3A_12 = tpu.sem_alloc : memref<!tpu.dma_semaphore, #tpu.memory_space<semaphore_mem>>
      %dma_start3A = arith.constant 0 : i32
      %dma_start3A_13 = tpu.memref_slice %arg11[%run_scoped3A, %mul3A_0, %dma_start3A] : memref<1x10240x128xf32, #tpu.memory_space<vmem_shared>> -> memref<1x640x128xf32, #tpu.memory_space<vmem_shared>>
      %dma_start3A_14 = tpu.memref_squeeze %dma_start3A_13 : memref<1x640x128xf32, #tpu.memory_space<vmem_shared>> -> memref<640x128xf32, #tpu.memory_space<vmem_shared>>
      tpu.enqueue_dma source(%arg5 : memref<640x128xf32, #tpu.memory_space<hbm>>) target(%dma_start3A_14 : memref<640x128xf32, #tpu.memory_space<vmem_shared>>) target_semaphore(%run_scoped3A_12 : memref<!tpu.dma_semaphore, #tpu.memory_space<semaphore_mem>>)
      %dma_wait3A = arith.constant 0 : i32
      %dma_wait3A_15 = tpu.memref_slice %arg11[%run_scoped3A, %mul3A_0, %dma_wait3A] : memref<1x10240x128xf32, #tpu.memory_space<vmem_shared>> -> memref<1x640x128xf32, #tpu.memory_space<vmem_shared>>
      %dma_wait3A_16 = tpu.memref_squeeze %dma_wait3A_15 : memref<1x640x128xf32, #tpu.memory_space<vmem_shared>> -> memref<640x128xf32, #tpu.memory_space<vmem_shared>>
      tpu.wait_dma2 semaphore(%run_scoped3A_12 : memref<!tpu.dma_semaphore, #tpu.memory_space<semaphore_mem>>) src(%arg5 : memref<640x128xf32, #tpu.memory_space<hbm>>) dst(%dma_wait3A_16 : memref<640x128xf32, #tpu.memory_space<vmem_shared>>)
      tpu.yield
    }) : () -> ()
    %barrier3A = arith.constant 0 : index
    tpu.barrier barrier_id(%barrier3A)
    %scan3A = arith.constant 0 : i32
    %scan3A_1 = arith.constant 0 : i32
    %scan3A_2 = arith.constant 16 : i32
    %scan3A_3 = arith.addi %scan3A_1, %scan3A_2 : i32
    %scan3A_4 = arith.constant 1 : i32
    scf.for %scan3A_12 = %scan3A_1 to %scan3A_3 step %scan3A_4  : i32 {
      %mul3A_13 = arith.constant 8 : i32
      %mul3A_14 = arith.muli %scan3A_12, %mul3A_13 : i32
      "tpu.region"() ({
        %run_scoped3A_31 = tpu.sem_alloc : memref<!tpu.dma_semaphore, #tpu.memory_space<semaphore_mem>>
        %dma_start3A_32 = arith.constant 0 : i32
        %dma_start3A_33 = arith.constant 0 : i32
        %dma_start3A_34 = tpu.memref_slice %arg3[%arg0, %arg1, %mul3A_14, %dma_start3A_32, %dma_start3A_33] : memref<2x16x128x1x160xi32, #tpu.memory_space<hbm>> -> memref<1x1x8x1x160xi32, #tpu.memory_space<hbm>>
        %dma_start3A_35 = tpu.memref_squeeze %dma_start3A_34 : memref<1x1x8x1x160xi32, #tpu.memory_space<hbm>> -> memref<8x1x160xi32, #tpu.memory_space<hbm>>
        %dma_start3A_36 = arith.constant 0 : i32
        %dma_start3A_37 = arith.constant 0 : i32
        %dma_start3A_38 = tpu.memref_slice %arg3[%arg0, %arg1, %mul3A_14, %dma_start3A_36, %dma_start3A_37] : memref<2x16x128x1x160xi32, #tpu.memory_space<hbm>> -> memref<1x1x8x1x160xi32, #tpu.memory_space<hbm>>
        %dma_start3A_39 = tpu.memref_squeeze %dma_start3A_38 : memref<1x1x8x1x160xi32, #tpu.memory_space<hbm>> -> memref<8x1x160xi32, #tpu.memory_space<hbm>>
        tpu.enqueue_dma source(%dma_start3A_39 : memref<8x1x160xi32, #tpu.memory_space<hbm>>) target(%arg7 : memref<8x1x160xi32, #tpu.memory_space<vmem>>) target_semaphore(%run_scoped3A_31 : memref<!tpu.dma_semaphore, #tpu.memory_space<semaphore_mem>>)
        %dma_wait3A = arith.constant 0 : i32
        %dma_wait3A_40 = arith.constant 0 : i32
        %dma_wait3A_41 = tpu.memref_slice %arg3[%arg0, %arg1, %mul3A_14, %dma_wait3A, %dma_wait3A_40] : memref<2x16x128x1x160xi32, #tpu.memory_space<hbm>> -> memref<1x1x8x1x160xi32, #tpu.memory_space<hbm>>
        %dma_wait3A_42 = tpu.memref_squeeze %dma_wait3A_41 : memref<1x1x8x1x160xi32, #tpu.memory_space<hbm>> -> memref<8x1x160xi32, #tpu.memory_space<hbm>>
        %dma_wait3A_43 = arith.constant 0 : i32
        %dma_wait3A_44 = arith.constant 0 : i32
        %dma_wait3A_45 = tpu.memref_slice %arg3[%arg0, %arg1, %mul3A_14, %dma_wait3A_43, %dma_wait3A_44] : memref<2x16x128x1x160xi32, #tpu.memory_space<hbm>> -> memref<1x1x8x1x160xi32, #tpu.memory_space<hbm>>
        %dma_wait3A_46 = tpu.memref_squeeze %dma_wait3A_45 : memref<1x1x8x1x160xi32, #tpu.memory_space<hbm>> -> memref<8x1x160xi32, #tpu.memory_space<hbm>>
        tpu.wait_dma2 semaphore(%run_scoped3A_31 : memref<!tpu.dma_semaphore, #tpu.memory_space<semaphore_mem>>) src(%dma_wait3A_46 : memref<8x1x160xi32, #tpu.memory_space<hbm>>) dst(%arg7 : memref<8x1x160xi32, #tpu.memory_space<vmem>>)
        tpu.yield
      }) : () -> ()
      %mul3A_15 = arith.constant 8 : i32
      %mul3A_16 = arith.muli %scan3A_12, %mul3A_15 : i32
      "tpu.region"() ({
        %run_scoped3A_31 = tpu.sem_alloc : memref<!tpu.dma_semaphore, #tpu.memory_space<semaphore_mem>>
        %dma_start3A_32 = arith.constant 0 : i32
        %dma_start3A_33 = arith.constant 0 : i32
        %dma_start3A_34 = tpu.memref_slice %arg4[%arg0, %arg1, %mul3A_16, %dma_start3A_32, %dma_start3A_33] : memref<2x16x128x1x160xi32, #tpu.memory_space<hbm>> -> memref<1x1x8x1x160xi32, #tpu.memory_space<hbm>>
        %dma_start3A_35 = tpu.memref_squeeze %dma_start3A_34 : memref<1x1x8x1x160xi32, #tpu.memory_space<hbm>> -> memref<8x1x160xi32, #tpu.memory_space<hbm>>
        %dma_start3A_36 = arith.constant 0 : i32
        %dma_start3A_37 = arith.constant 0 : i32
        %dma_start3A_38 = tpu.memref_slice %arg4[%arg0, %arg1, %mul3A_16, %dma_start3A_36, %dma_start3A_37] : memref<2x16x128x1x160xi32, #tpu.memory_space<hbm>> -> memref<1x1x8x1x160xi32, #tpu.memory_space<hbm>>
        %dma_start3A_39 = tpu.memref_squeeze %dma_start3A_38 : memref<1x1x8x1x160xi32, #tpu.memory_space<hbm>> -> memref<8x1x160xi32, #tpu.memory_space<hbm>>
        tpu.enqueue_dma source(%dma_start3A_39 : memref<8x1x160xi32, #tpu.memory_space<hbm>>) target(%arg8 : memref<8x1x160xi32, #tpu.memory_space<vmem>>) target_semaphore(%run_scoped3A_31 : memref<!tpu.dma_semaphore, #tpu.memory_space<semaphore_mem>>)
        %dma_wait3A = arith.constant 0 : i32
        %dma_wait3A_40 = arith.constant 0 : i32
        %dma_wait3A_41 = tpu.memref_slice %arg4[%arg0, %arg1, %mul3A_16, %dma_wait3A, %dma_wait3A_40] : memref<2x16x128x1x160xi32, #tpu.memory_space<hbm>> -> memref<1x1x8x1x160xi32, #tpu.memory_space<hbm>>
        %dma_wait3A_42 = tpu.memref_squeeze %dma_wait3A_41 : memref<1x1x8x1x160xi32, #tpu.memory_space<hbm>> -> memref<8x1x160xi32, #tpu.memory_space<hbm>>
        %dma_wait3A_43 = arith.constant 0 : i32
        %dma_wait3A_44 = arith.constant 0 : i32
        %dma_wait3A_45 = tpu.memref_slice %arg4[%arg0, %arg1, %mul3A_16, %dma_wait3A_43, %dma_wait3A_44] : memref<2x16x128x1x160xi32, #tpu.memory_space<hbm>> -> memref<1x1x8x1x160xi32, #tpu.memory_space<hbm>>
        %dma_wait3A_46 = tpu.memref_squeeze %dma_wait3A_45 : memref<1x1x8x1x160xi32, #tpu.memory_space<hbm>> -> memref<8x1x160xi32, #tpu.memory_space<hbm>>
        tpu.wait_dma2 semaphore(%run_scoped3A_31 : memref<!tpu.dma_semaphore, #tpu.memory_space<semaphore_mem>>) src(%dma_wait3A_46 : memref<8x1x160xi32, #tpu.memory_space<hbm>>) dst(%arg8 : memref<8x1x160xi32, #tpu.memory_space<vmem>>)
        tpu.yield
      }) : () -> ()
      %dma_start3A = arith.constant 0 : i32
      %dma_start3A_17 = arith.constant 0 : i32
      %dma_start3A_18 = arith.constant 0 : i32
      %dma_start3A_19 = tpu.memref_slice %arg7[%dma_start3A, %dma_start3A_17, %dma_start3A_18] : memref<8x1x160xi32, #tpu.memory_space<vmem>> -> memref<1x1x160xi32, #tpu.memory_space<vmem>>
      %dma_start3A_20 = tpu.memref_squeeze %dma_start3A_19 : memref<1x1x160xi32, #tpu.memory_space<vmem>> -> memref<1x160xi32, #tpu.memory_space<vmem>>
      %dma_start3A_21 = arith.constant 0 : i32
      %dma_start3A_22 = arith.constant 0 : i32
      %dma_start3A_23 = arith.constant 0 : i32
      %dma_start3A_24 = tpu.memref_slice %arg2[%dma_start3A_21, %dma_start3A_22, %dma_start3A_23] : memref<1x20480x128xf32, #tpu.memory_space<hbm>> -> memref<1x20480x128xf32, #tpu.memory_space<hbm>>
      tpu.enqueue_indirect_dma source(%dma_start3A_24 : memref<1x20480x128xf32, #tpu.memory_space<hbm>>) target(%arg9 : memref<1x160x128xf32, #tpu.memory_space<vmem>>) offsets(%dma_start3A_20 : memref<1x160xi32, #tpu.memory_space<vmem>>) semaphore(%arg12 : memref<!tpu.dma_semaphore, #tpu.memory_space<semaphore_mem>>)
      %scan3A_25 = arith.constant 0 : i32
      %scan3A_26 = arith.constant 0 : i32
      %scan3A_27 = arith.constant 4 : i32
      %scan3A_28 = arith.addi %scan3A_26, %scan3A_27 : i32
      %scan3A_29 = arith.constant 1 : i32
      scf.for %scan3A_31 = %scan3A_26 to %scan3A_28 step %scan3A_29  : i32 {
        %mul3A_32 = arith.constant 2 : i32
        %mul3A_33 = arith.muli %mul3A_32, %scan3A_31 : i32
        %add3A = arith.constant 1 : i32
        %add3A_34 = arith.addi %mul3A_33, %add3A : i32
        %dma_start3A_35 = arith.constant 0 : i32
        %dma_start3A_36 = arith.constant 0 : i32
        %dma_start3A_37 = tpu.memref_slice %arg7[%add3A_34, %dma_start3A_35, %dma_start3A_36] : memref<8x1x160xi32, #tpu.memory_space<vmem>> -> memref<1x1x160xi32, #tpu.memory_space<vmem>>
        %dma_start3A_38 = tpu.memref_squeeze %dma_start3A_37 : memref<1x1x160xi32, #tpu.memory_space<vmem>> -> memref<1x160xi32, #tpu.memory_space<vmem>>
        %dma_start3A_39 = arith.constant 0 : i32
        %dma_start3A_40 = arith.constant 0 : i32
        %dma_start3A_41 = arith.constant 0 : i32
        %dma_start3A_42 = tpu.memref_slice %arg2[%dma_start3A_39, %dma_start3A_40, %dma_start3A_41] : memref<1x20480x128xf32, #tpu.memory_space<hbm>> -> memref<1x20480x128xf32, #tpu.memory_space<hbm>>
        tpu.enqueue_indirect_dma source(%dma_start3A_42 : memref<1x20480x128xf32, #tpu.memory_space<hbm>>) target(%arg10 : memref<1x160x128xf32, #tpu.memory_space<vmem>>) offsets(%dma_start3A_38 : memref<1x160xi32, #tpu.memory_space<vmem>>) semaphore(%arg13 : memref<!tpu.dma_semaphore, #tpu.memory_space<semaphore_mem>>)
        %dma_wait3A = arith.constant 0 : i32
        %dma_wait3A_43 = arith.constant 0 : i32
        %dma_wait3A_44 = tpu.memref_slice %arg7[%mul3A_33, %dma_wait3A, %dma_wait3A_43] : memref<8x1x160xi32, #tpu.memory_space<vmem>> -> memref<1x1x160xi32, #tpu.memory_space<vmem>>
        %dma_wait3A_45 = tpu.memref_squeeze %dma_wait3A_44 : memref<1x1x160xi32, #tpu.memory_space<vmem>> -> memref<1x160xi32, #tpu.memory_space<vmem>>
        %dma_wait3A_46 = arith.constant 0 : i32
        %dma_wait3A_47 = arith.constant 0 : i32
        %dma_wait3A_48 = arith.constant 0 : i32
        %dma_wait3A_49 = tpu.memref_slice %arg2[%dma_wait3A_46, %dma_wait3A_47, %dma_wait3A_48] : memref<1x20480x128xf32, #tpu.memory_space<hbm>> -> memref<1x20480x128xf32, #tpu.memory_space<hbm>>
        tpu.wait_indirect_dma semaphore(%arg12 : memref<!tpu.dma_semaphore, #tpu.memory_space<semaphore_mem>>) src(%dma_wait3A_49 : memref<1x20480x128xf32, #tpu.memory_space<hbm>>) dst(%arg9 : memref<1x160x128xf32, #tpu.memory_space<vmem>>)
        "tpu.region"() ({
          %run_scoped3A_62 = tpu.sem_alloc : memref<!tpu.dma_semaphore, #tpu.memory_space<semaphore_mem>>
          %dma_start3A_63 = arith.constant 0 : i32
          %dma_start3A_64 = arith.constant 0 : i32
          %dma_start3A_65 = tpu.memref_slice %arg8[%mul3A_33, %dma_start3A_63, %dma_start3A_64] : memref<8x1x160xi32, #tpu.memory_space<vmem>> -> memref<1x1x160xi32, #tpu.memory_space<vmem>>
          %dma_start3A_66 = tpu.memref_squeeze %dma_start3A_65 : memref<1x1x160xi32, #tpu.memory_space<vmem>> -> memref<1x160xi32, #tpu.memory_space<vmem>>
          %dma_start3A_67 = arith.constant 0 : i32
          %dma_start3A_68 = arith.constant 0 : i32
          %dma_start3A_69 = arith.constant 0 : i32
          %dma_start3A_70 = tpu.memref_slice %arg11[%dma_start3A_67, %dma_start3A_68, %dma_start3A_69] : memref<1x10240x128xf32, #tpu.memory_space<vmem_shared>> -> memref<1x10240x128xf32, #tpu.memory_space<vmem_shared>>
          tpu.enqueue_indirect_dma source(%arg9 : memref<1x160x128xf32, #tpu.memory_space<vmem>>) target(%dma_start3A_70 : memref<1x10240x128xf32, #tpu.memory_space<vmem_shared>>) offsets(%dma_start3A_66 : memref<1x160xi32, #tpu.memory_space<vmem>>) semaphore(%run_scoped3A_62 : memref<!tpu.dma_semaphore, #tpu.memory_space<semaphore_mem>>) {add = true}
          %dma_wait3A_71 = arith.constant 0 : i32
          %dma_wait3A_72 = arith.constant 0 : i32
          %dma_wait3A_73 = tpu.memref_slice %arg8[%mul3A_33, %dma_wait3A_71, %dma_wait3A_72] : memref<8x1x160xi32, #tpu.memory_space<vmem>> -> memref<1x1x160xi32, #tpu.memory_space<vmem>>
          %dma_wait3A_74 = tpu.memref_squeeze %dma_wait3A_73 : memref<1x1x160xi32, #tpu.memory_space<vmem>> -> memref<1x160xi32, #tpu.memory_space<vmem>>
          %dma_wait3A_75 = arith.constant 0 : i32
          %dma_wait3A_76 = arith.constant 0 : i32
          %dma_wait3A_77 = arith.constant 0 : i32
          %dma_wait3A_78 = tpu.memref_slice %arg11[%dma_wait3A_75, %dma_wait3A_76, %dma_wait3A_77] : memref<1x10240x128xf32, #tpu.memory_space<vmem_shared>> -> memref<1x10240x128xf32, #tpu.memory_space<vmem_shared>>
          tpu.wait_indirect_dma semaphore(%run_scoped3A_62 : memref<!tpu.dma_semaphore, #tpu.memory_space<semaphore_mem>>) src(%arg9 : memref<1x160x128xf32, #tpu.memory_space<vmem>>) dst(%dma_wait3A_78 : memref<1x10240x128xf32, #tpu.memory_space<vmem_shared>>)
          tpu.yield
        }) : () -> ()
        %add3A_50 = arith.constant 2 : i32
        %add3A_51 = arith.addi %mul3A_33, %add3A_50 : i32
        %lt3A = arith.constant 8 : i32
        %lt3A_52 = arith.cmpi slt, %add3A_51, %lt3A : i32
        %convert_element_type3A = arith.extui %lt3A_52 : i1 to i32
        %cond3A = arith.constant 0 : i32
        %cond3A_53 = arith.cmpi ne, %convert_element_type3A, %cond3A : i32
        scf.if %cond3A_53 {
          %add3A_62 = arith.constant 2 : i32
          %add3A_63 = arith.addi %mul3A_33, %add3A_62 : i32
          %dma_start3A_64 = arith.constant 0 : i32
          %dma_start3A_65 = arith.constant 0 : i32
          %dma_start3A_66 = tpu.memref_slice %arg7[%add3A_63, %dma_start3A_64, %dma_start3A_65] : memref<8x1x160xi32, #tpu.memory_space<vmem>> -> memref<1x1x160xi32, #tpu.memory_space<vmem>>
          %dma_start3A_67 = tpu.memref_squeeze %dma_start3A_66 : memref<1x1x160xi32, #tpu.memory_space<vmem>> -> memref<1x160xi32, #tpu.memory_space<vmem>>
          %dma_start3A_68 = arith.constant 0 : i32
          %dma_start3A_69 = arith.constant 0 : i32
          %dma_start3A_70 = arith.constant 0 : i32
          %dma_start3A_71 = tpu.memref_slice %arg2[%dma_start3A_68, %dma_start3A_69, %dma_start3A_70] : memref<1x20480x128xf32, #tpu.memory_space<hbm>> -> memref<1x20480x128xf32, #tpu.memory_space<hbm>>
          tpu.enqueue_indirect_dma source(%dma_start3A_71 : memref<1x20480x128xf32, #tpu.memory_space<hbm>>) target(%arg9 : memref<1x160x128xf32, #tpu.memory_space<vmem>>) offsets(%dma_start3A_67 : memref<1x160xi32, #tpu.memory_space<vmem>>) semaphore(%arg12 : memref<!tpu.dma_semaphore, #tpu.memory_space<semaphore_mem>>)
        } else {
        }
        %dma_wait3A_54 = arith.constant 0 : i32
        %dma_wait3A_55 = arith.constant 0 : i32
        %dma_wait3A_56 = tpu.memref_slice %arg7[%add3A_34, %dma_wait3A_54, %dma_wait3A_55] : memref<8x1x160xi32, #tpu.memory_space<vmem>> -> memref<1x1x160xi32, #tpu.memory_space<vmem>>
        %dma_wait3A_57 = tpu.memref_squeeze %dma_wait3A_56 : memref<1x1x160xi32, #tpu.memory_space<vmem>> -> memref<1x160xi32, #tpu.memory_space<vmem>>
        %dma_wait3A_58 = arith.constant 0 : i32
        %dma_wait3A_59 = arith.constant 0 : i32
        %dma_wait3A_60 = arith.constant 0 : i32
        %dma_wait3A_61 = tpu.memref_slice %arg2[%dma_wait3A_58, %dma_wait3A_59, %dma_wait3A_60] : memref<1x20480x128xf32, #tpu.memory_space<hbm>> -> memref<1x20480x128xf32, #tpu.memory_space<hbm>>
        tpu.wait_indirect_dma semaphore(%arg13 : memref<!tpu.dma_semaphore, #tpu.memory_space<semaphore_mem>>) src(%dma_wait3A_61 : memref<1x20480x128xf32, #tpu.memory_space<hbm>>) dst(%arg10 : memref<1x160x128xf32, #tpu.memory_space<vmem>>)
        "tpu.region"() ({
          %run_scoped3A_62 = tpu.sem_alloc : memref<!tpu.dma_semaphore, #tpu.memory_space<semaphore_mem>>
          %dma_start3A_63 = arith.constant 0 : i32
          %dma_start3A_64 = arith.constant 0 : i32
          %dma_start3A_65 = tpu.memref_slice %arg8[%add3A_34, %dma_start3A_63, %dma_start3A_64] : memref<8x1x160xi32, #tpu.memory_space<vmem>> -> memref<1x1x160xi32, #tpu.memory_space<vmem>>
          %dma_start3A_66 = tpu.memref_squeeze %dma_start3A_65 : memref<1x1x160xi32, #tpu.memory_space<vmem>> -> memref<1x160xi32, #tpu.memory_space<vmem>>
          %dma_start3A_67 = arith.constant 0 : i32
          %dma_start3A_68 = arith.constant 0 : i32
          %dma_start3A_69 = arith.constant 0 : i32
          %dma_start3A_70 = tpu.memref_slice %arg11[%dma_start3A_67, %dma_start3A_68, %dma_start3A_69] : memref<1x10240x128xf32, #tpu.memory_space<vmem_shared>> -> memref<1x10240x128xf32, #tpu.memory_space<vmem_shared>>
          tpu.enqueue_indirect_dma source(%arg10 : memref<1x160x128xf32, #tpu.memory_space<vmem>>) target(%dma_start3A_70 : memref<1x10240x128xf32, #tpu.memory_space<vmem_shared>>) offsets(%dma_start3A_66 : memref<1x160xi32, #tpu.memory_space<vmem>>) semaphore(%run_scoped3A_62 : memref<!tpu.dma_semaphore, #tpu.memory_space<semaphore_mem>>) {add = true}
          %dma_wait3A_71 = arith.constant 0 : i32
          %dma_wait3A_72 = arith.constant 0 : i32
          %dma_wait3A_73 = tpu.memref_slice %arg8[%add3A_34, %dma_wait3A_71, %dma_wait3A_72] : memref<8x1x160xi32, #tpu.memory_space<vmem>> -> memref<1x1x160xi32, #tpu.memory_space<vmem>>
          %dma_wait3A_74 = tpu.memref_squeeze %dma_wait3A_73 : memref<1x1x160xi32, #tpu.memory_space<vmem>> -> memref<1x160xi32, #tpu.memory_space<vmem>>
          %dma_wait3A_75 = arith.constant 0 : i32
          %dma_wait3A_76 = arith.constant 0 : i32
          %dma_wait3A_77 = arith.constant 0 : i32
          %dma_wait3A_78 = tpu.memref_slice %arg11[%dma_wait3A_75, %dma_wait3A_76, %dma_wait3A_77] : memref<1x10240x128xf32, #tpu.memory_space<vmem_shared>> -> memref<1x10240x128xf32, #tpu.memory_space<vmem_shared>>
          tpu.wait_indirect_dma semaphore(%run_scoped3A_62 : memref<!tpu.dma_semaphore, #tpu.memory_space<semaphore_mem>>) src(%arg10 : memref<1x160x128xf32, #tpu.memory_space<vmem>>) dst(%dma_wait3A_78 : memref<1x10240x128xf32, #tpu.memory_space<vmem_shared>>)
          tpu.yield
        }) : () -> ()
      }
      %scan3A_30 = arith.constant 4 : i32
    }
    %scan3A_5 = arith.constant 16 : i32
    %barrier3A_6 = arith.constant 0 : index
    tpu.barrier barrier_id(%barrier3A_6)
    %mul3A_7 = arith.constant 640 : i32
    %mul3A_8 = arith.muli %arg1, %mul3A_7 : i32
    %mul3A_9 = arith.constant 640 : i32
    %mul3A_10 = arith.muli %arg1, %mul3A_9 : i32
    %run_scoped3A_11 = arith.constant 0 : i32
    "tpu.region"() ({
      %run_scoped3A_12 = tpu.sem_alloc : memref<!tpu.dma_semaphore, #tpu.memory_space<semaphore_mem>>
      %dma_start3A = arith.constant 0 : i32
      %dma_start3A_13 = tpu.memref_slice %arg6[%arg0, %mul3A_10, %dma_start3A] : memref<2x10240x128xf32, #tpu.memory_space<hbm>> -> memref<1x640x128xf32, #tpu.memory_space<hbm>>
      %dma_start3A_14 = tpu.memref_squeeze %dma_start3A_13 : memref<1x640x128xf32, #tpu.memory_space<hbm>> -> memref<640x128xf32, #tpu.memory_space<hbm>>
      %dma_start3A_15 = arith.constant 0 : i32
      %dma_start3A_16 = tpu.memref_slice %arg11[%run_scoped3A_11, %mul3A_8, %dma_start3A_15] : memref<1x10240x128xf32, #tpu.memory_space<vmem_shared>> -> memref<1x640x128xf32, #tpu.memory_space<vmem_shared>>
      %dma_start3A_17 = tpu.memref_squeeze %dma_start3A_16 : memref<1x640x128xf32, #tpu.memory_space<vmem_shared>> -> memref<640x128xf32, #tpu.memory_space<vmem_shared>>
      tpu.enqueue_dma source(%dma_start3A_17 : memref<640x128xf32, #tpu.memory_space<vmem_shared>>) target(%dma_start3A_14 : memref<640x128xf32, #tpu.memory_space<hbm>>) target_semaphore(%run_scoped3A_12 : memref<!tpu.dma_semaphore, #tpu.memory_space<semaphore_mem>>)
      %dma_wait3A = arith.constant 0 : i32
      %dma_wait3A_18 = tpu.memref_slice %arg6[%arg0, %mul3A_10, %dma_wait3A] : memref<2x10240x128xf32, #tpu.memory_space<hbm>> -> memref<1x640x128xf32, #tpu.memory_space<hbm>>
      %dma_wait3A_19 = tpu.memref_squeeze %dma_wait3A_18 : memref<1x640x128xf32, #tpu.memory_space<hbm>> -> memref<640x128xf32, #tpu.memory_space<hbm>>
      %dma_wait3A_20 = arith.constant 0 : i32
      %dma_wait3A_21 = tpu.memref_slice %arg11[%run_scoped3A_11, %mul3A_8, %dma_wait3A_20] : memref<1x10240x128xf32, #tpu.memory_space<vmem_shared>> -> memref<1x640x128xf32, #tpu.memory_space<vmem_shared>>
      %dma_wait3A_22 = tpu.memref_squeeze %dma_wait3A_21 : memref<1x640x128xf32, #tpu.memory_space<vmem_shared>> -> memref<640x128xf32, #tpu.memory_space<vmem_shared>>
      tpu.wait_dma2 semaphore(%run_scoped3A_12 : memref<!tpu.dma_semaphore, #tpu.memory_space<semaphore_mem>>) src(%dma_wait3A_22 : memref<640x128xf32, #tpu.memory_space<vmem_shared>>) dst(%dma_wait3A_19 : memref<640x128xf32, #tpu.memory_space<hbm>>)
      tpu.yield
    }) : () -> ()
    return
  }
}

module attributes {stable_mosaic.version = 14 : i64} {
  func.func @_tc_prep(%arg0: memref<10000x128xf32, #tpu.memory_space<vmem>>, %arg1: memref<128x256xf32, #tpu.memory_space<vmem>>, %arg2: memref<2x10240x128xf32, #tpu.memory_space<vmem>>, %arg3: memref<2x10240x128xf32, #tpu.memory_space<vmem>>, %arg4: memref<10240x1xf32, #tpu.memory_space<vmem>>) attributes {dimension_semantics = [], scalar_prefetch = 0 : i64, scratch_operands = 0 : i64, tpu.core_type = #tpu.core_type<tc>} {
    %get3A = arith.constant 0 : index
    %get3A_0 = arith.constant 0 : index
    %get3A_1 = arith.constant 0 : index
    %get3A_2 = vector.load %arg2[%get3A, %get3A_0, %get3A_1] : memref<2x10240x128xf32, #tpu.memory_space<vmem>>, vector<1x10240x1xf32>
    %get3A_3 = vector.shape_cast %get3A_2 : vector<1x10240x1xf32> to vector<10240x1xf32>
    %get3A_4 = arith.constant 1 : index
    %get3A_5 = arith.constant 0 : index
    %get3A_6 = arith.constant 0 : index
    %get3A_7 = vector.load %arg2[%get3A_4, %get3A_5, %get3A_6] : memref<2x10240x128xf32, #tpu.memory_space<vmem>>, vector<1x10240x1xf32>
    %get3A_8 = vector.shape_cast %get3A_7 : vector<1x10240x1xf32> to vector<10240x1xf32>
    %add3A = arith.addf %get3A_3, %get3A_8 : vector<10240x1xf32>
    %add3A_9 = arith.constant 1.000000e+00 : f32
    %add3A_10 = vector.broadcast %add3A_9 : f32 to vector<10240x1xf32>
    %add3A_11 = arith.addf %add3A, %add3A_10 : vector<10240x1xf32>
    %max3A = arith.constant 1.000000e+00 : f32
    %max3A_12 = vector.broadcast %max3A : f32 to vector<10240x1xf32>
    %max3A_13 = arith.maximumf %add3A_11, %max3A_12 : vector<10240x1xf32>
    %rsqrt3A = math.rsqrt %max3A_13 : vector<10240x1xf32>
    %swap3A = arith.constant 0 : index
    %swap3A_14 = arith.constant 0 : index
    %swap3A_15 = vector.load %arg4[%swap3A, %swap3A_14] : memref<10240x1xf32, #tpu.memory_space<vmem>>, vector<10240x1xf32>
    tpu.vector_store %arg4[%swap3A, %swap3A_14], %rsqrt3A {strides = array<i32>} : memref<10240x1xf32, #tpu.memory_space<vmem>>, vector<10240x1xf32>,
    %get3A_16 = arith.constant 0 : index
    %get3A_17 = arith.constant 0 : index
    %get3A_18 = vector.load %arg0[%get3A_16, %get3A_17] : memref<10000x128xf32, #tpu.memory_space<vmem>>, vector<10000x128xf32>
    %get3A_19 = arith.constant 0 : index
    %get3A_20 = arith.constant 0 : index
    %get3A_21 = vector.load %arg1[%get3A_19, %get3A_20] : memref<128x256xf32, #tpu.memory_space<vmem>>, vector<128x256xf32>
    %dot_general3A = arith.constant dense<0.000000e+00> : vector<10000x256xf32>
    %dot_general3A_22 = tpu.matmul %get3A_18, %get3A_21, %dot_general3A {dimension_numbers = #tpu.dot_dimension_numbers<[1], [0], [0], [1], [0, 0, 1, 1], [], []>, transpose_lhs_hint = false} : vector<10000x128xf32>, vector<128x256xf32>, vector<10000x256xf32> -> vector<10000x256xf32>
    %slice3A = vector.extract_strided_slice %rsqrt3A {offsets = [0, 0], sizes = [10000, 1], strides = [1, 1]} : vector<10240x1xf32> to vector<10000x1xf32>
    %mul3A = vector.broadcast %slice3A : vector<10000x1xf32> to vector<10000x256xf32>
    %mul3A_23 = arith.mulf %dot_general3A_22, %mul3A : vector<10000x256xf32>
    %slice3A_24 = vector.extract_strided_slice %mul3A_23 {offsets = [0, 0], sizes = [10000, 128], strides = [1, 1]} : vector<10000x256xf32> to vector<10000x128xf32>
    %swap3A_25 = arith.constant 0 : index
    %swap3A_26 = arith.constant 0 : index
    %swap3A_27 = arith.constant 0 : index
    %swap3A_28 = vector.load %arg3[%swap3A_25, %swap3A_26, %swap3A_27] : memref<2x10240x128xf32, #tpu.memory_space<vmem>>, vector<1x10000x128xf32>
    %swap3A_29 = vector.shape_cast %swap3A_28 : vector<1x10000x128xf32> to vector<10000x128xf32>
    %swap3A_30 = vector.shape_cast %slice3A_24 : vector<10000x128xf32> to vector<1x10000x128xf32>
    tpu.vector_store %arg3[%swap3A_25, %swap3A_26, %swap3A_27], %swap3A_30 {strides = array<i32>} : memref<2x10240x128xf32, #tpu.memory_space<vmem>>, vector<1x10000x128xf32>,
    %slice3A_31 = vector.extract_strided_slice %mul3A_23 {offsets = [0, 128], sizes = [10000, 128], strides = [1, 1]} : vector<10000x256xf32> to vector<10000x128xf32>
    %swap3A_32 = arith.constant 1 : index
    %swap3A_33 = arith.constant 0 : index
    %swap3A_34 = arith.constant 0 : index
    %swap3A_35 = vector.load %arg3[%swap3A_32, %swap3A_33, %swap3A_34] : memref<2x10240x128xf32, #tpu.memory_space<vmem>>, vector<1x10000x128xf32>
    %swap3A_36 = vector.shape_cast %swap3A_35 : vector<1x10000x128xf32> to vector<10000x128xf32>
    %swap3A_37 = vector.shape_cast %slice3A_31 : vector<10000x128xf32> to vector<1x10000x128xf32>
    tpu.vector_store %arg3[%swap3A_32, %swap3A_33, %swap3A_34], %swap3A_37 {strides = array<i32>} : memref<2x10240x128xf32, #tpu.memory_space<vmem>>, vector<1x10000x128xf32>,
    return
  }
}

module attributes {stable_mosaic.version = 14 : i64} {
  func.func @_tc_mid(%arg0: memref<2x10240x128xf32, #tpu.memory_space<vmem>>, %arg1: memref<2x10240x128xf32, #tpu.memory_space<vmem>>, %arg2: memref<10240x1xf32, #tpu.memory_space<vmem>>, %arg3: memref<1x256xf32, #tpu.memory_space<vmem>>, %arg4: memref<1x256xf32, #tpu.memory_space<vmem>>, %arg5: memref<1x256xf32, #tpu.memory_space<vmem>>, %arg6: memref<256x128xf32, #tpu.memory_space<vmem>>, %arg7: memref<10240x128xf32, #tpu.memory_space<vmem>>) attributes {dimension_semantics = [], scalar_prefetch = 0 : i64, scratch_operands = 0 : i64, tpu.core_type = #tpu.core_type<tc>} {
    %get3A = arith.constant 0 : index
    %get3A_0 = arith.constant 0 : index
    %get3A_1 = vector.load %arg2[%get3A, %get3A_0] : memref<10240x1xf32, #tpu.memory_space<vmem>>, vector<10000x1xf32>
    %get3A_2 = arith.constant 0 : index
    %get3A_3 = arith.constant 0 : index
    %get3A_4 = arith.constant 0 : index
    %get3A_5 = vector.load %arg0[%get3A_2, %get3A_3, %get3A_4] : memref<2x10240x128xf32, #tpu.memory_space<vmem>>, vector<1x10000x128xf32>
    %get3A_6 = vector.shape_cast %get3A_5 : vector<1x10000x128xf32> to vector<10000x128xf32>
    %get3A_7 = arith.constant 0 : index
    %get3A_8 = arith.constant 0 : index
    %get3A_9 = arith.constant 0 : index
    %get3A_10 = vector.load %arg1[%get3A_7, %get3A_8, %get3A_9] : memref<2x10240x128xf32, #tpu.memory_space<vmem>>, vector<1x10000x128xf32>
    %get3A_11 = vector.shape_cast %get3A_10 : vector<1x10000x128xf32> to vector<10000x128xf32>
    %add3A = arith.addf %get3A_6, %get3A_11 : vector<10000x128xf32>
    %mul3A = vector.broadcast %get3A_1 : vector<10000x1xf32> to vector<10000x128xf32>
    %mul3A_12 = arith.mulf %add3A, %mul3A : vector<10000x128xf32>
    %get3A_13 = arith.constant 0 : index
    %get3A_14 = arith.constant 0 : index
    %get3A_15 = vector.load %arg3[%get3A_13, %get3A_14] : memref<1x256xf32, #tpu.memory_space<vmem>>, vector<1x128xf32>
    %add3A_16 = vector.broadcast %get3A_15 : vector<1x128xf32> to vector<10000x128xf32>
    %add3A_17 = arith.addf %mul3A_12, %add3A_16 : vector<10000x128xf32>
    %reduce_sum3A = arith.constant dense<0.000000e+00> : vector<128xf32>
    %reduce_sum3A_18 = vector.multi_reduction <add>, %add3A_17, %reduce_sum3A [0] : vector<10000x128xf32> to vector<128xf32>
    %broadcast_in_dim3A = vector.shape_cast %reduce_sum3A_18 : vector<128xf32> to vector<1x128xf32>
    %div3A = arith.constant 1.000000e+04 : f32
    %div3A_19 = vector.broadcast %div3A : f32 to vector<1x128xf32>
    %div3A_20 = arith.divf %broadcast_in_dim3A, %div3A_19 : vector<1x128xf32>
    %mul3A_21 = arith.mulf %add3A_17, %add3A_17 : vector<10000x128xf32>
    %reduce_sum3A_22 = arith.constant dense<0.000000e+00> : vector<128xf32>
    %reduce_sum3A_23 = vector.multi_reduction <add>, %mul3A_21, %reduce_sum3A_22 [0] : vector<10000x128xf32> to vector<128xf32>
    %broadcast_in_dim3A_24 = vector.shape_cast %reduce_sum3A_23 : vector<128xf32> to vector<1x128xf32>
    %div3A_25 = arith.constant 1.000000e+04 : f32
    %div3A_26 = vector.broadcast %div3A_25 : f32 to vector<1x128xf32>
    %div3A_27 = arith.divf %broadcast_in_dim3A_24, %div3A_26 : vector<1x128xf32>
    %mul3A_28 = arith.mulf %div3A_20, %div3A_20 : vector<1x128xf32>
    %sub3A = arith.subf %div3A_27, %mul3A_28 : vector<1x128xf32>
    %sub3A_29 = vector.broadcast %div3A_20 : vector<1x128xf32> to vector<10000x128xf32>
    %sub3A_30 = arith.subf %add3A_17, %sub3A_29 : vector<10000x128xf32>
    %add3A_31 = arith.constant 9.99999974E-6 : f32
    %add3A_32 = vector.broadcast %add3A_31 : f32 to vector<1x128xf32>
    %add3A_33 = arith.addf %sub3A, %add3A_32 : vector<1x128xf32>
    %rsqrt3A = math.rsqrt %add3A_33 : vector<1x128xf32>
    %mul3A_34 = vector.broadcast %rsqrt3A : vector<1x128xf32> to vector<10000x128xf32>
    %mul3A_35 = arith.mulf %sub3A_30, %mul3A_34 : vector<10000x128xf32>
    %get3A_36 = arith.constant 0 : index
    %get3A_37 = arith.constant 0 : index
    %get3A_38 = vector.load %arg4[%get3A_36, %get3A_37] : memref<1x256xf32, #tpu.memory_space<vmem>>, vector<1x128xf32>
    %mul3A_39 = vector.broadcast %get3A_38 : vector<1x128xf32> to vector<10000x128xf32>
    %mul3A_40 = arith.mulf %mul3A_35, %mul3A_39 : vector<10000x128xf32>
    %get3A_41 = arith.constant 0 : index
    %get3A_42 = arith.constant 0 : index
    %get3A_43 = vector.load %arg5[%get3A_41, %get3A_42] : memref<1x256xf32, #tpu.memory_space<vmem>>, vector<1x128xf32>
    %add3A_44 = vector.broadcast %get3A_43 : vector<1x128xf32> to vector<10000x128xf32>
    %add3A_45 = arith.addf %mul3A_40, %add3A_44 : vector<10000x128xf32>
    %max3A = arith.constant 0.000000e+00 : f32
    %max3A_46 = vector.broadcast %max3A : f32 to vector<10000x128xf32>
    %max3A_47 = arith.maximumf %add3A_45, %max3A_46 : vector<10000x128xf32>
    %get3A_48 = arith.constant 1 : index
    %get3A_49 = arith.constant 0 : index
    %get3A_50 = arith.constant 0 : index
    %get3A_51 = vector.load %arg0[%get3A_48, %get3A_49, %get3A_50] : memref<2x10240x128xf32, #tpu.memory_space<vmem>>, vector<1x10000x128xf32>
    %get3A_52 = vector.shape_cast %get3A_51 : vector<1x10000x128xf32> to vector<10000x128xf32>
    %get3A_53 = arith.constant 1 : index
    %get3A_54 = arith.constant 0 : index
    %get3A_55 = arith.constant 0 : index
    %get3A_56 = vector.load %arg1[%get3A_53, %get3A_54, %get3A_55] : memref<2x10240x128xf32, #tpu.memory_space<vmem>>, vector<1x10000x128xf32>
    %get3A_57 = vector.shape_cast %get3A_56 : vector<1x10000x128xf32> to vector<10000x128xf32>
    %add3A_58 = arith.addf %get3A_52, %get3A_57 : vector<10000x128xf32>
    %mul3A_59 = vector.broadcast %get3A_1 : vector<10000x1xf32> to vector<10000x128xf32>
    %mul3A_60 = arith.mulf %add3A_58, %mul3A_59 : vector<10000x128xf32>
    %get3A_61 = arith.constant 0 : index
    %get3A_62 = arith.constant 128 : index
    %get3A_63 = vector.load %arg3[%get3A_61, %get3A_62] : memref<1x256xf32, #tpu.memory_space<vmem>>, vector<1x128xf32>
    %add3A_64 = vector.broadcast %get3A_63 : vector<1x128xf32> to vector<10000x128xf32>
    %add3A_65 = arith.addf %mul3A_60, %add3A_64 : vector<10000x128xf32>
    %reduce_sum3A_66 = arith.constant dense<0.000000e+00> : vector<128xf32>
    %reduce_sum3A_67 = vector.multi_reduction <add>, %add3A_65, %reduce_sum3A_66 [0] : vector<10000x128xf32> to vector<128xf32>
    %broadcast_in_dim3A_68 = vector.shape_cast %reduce_sum3A_67 : vector<128xf32> to vector<1x128xf32>
    %div3A_69 = arith.constant 1.000000e+04 : f32
    %div3A_70 = vector.broadcast %div3A_69 : f32 to vector<1x128xf32>
    %div3A_71 = arith.divf %broadcast_in_dim3A_68, %div3A_70 : vector<1x128xf32>
    %mul3A_72 = arith.mulf %add3A_65, %add3A_65 : vector<10000x128xf32>
    %reduce_sum3A_73 = arith.constant dense<0.000000e+00> : vector<128xf32>
    %reduce_sum3A_74 = vector.multi_reduction <add>, %mul3A_72, %reduce_sum3A_73 [0] : vector<10000x128xf32> to vector<128xf32>
    %broadcast_in_dim3A_75 = vector.shape_cast %reduce_sum3A_74 : vector<128xf32> to vector<1x128xf32>
    %div3A_76 = arith.constant 1.000000e+04 : f32
    %div3A_77 = vector.broadcast %div3A_76 : f32 to vector<1x128xf32>
    %div3A_78 = arith.divf %broadcast_in_dim3A_75, %div3A_77 : vector<1x128xf32>
    %mul3A_79 = arith.mulf %div3A_71, %div3A_71 : vector<1x128xf32>
    %sub3A_80 = arith.subf %div3A_78, %mul3A_79 : vector<1x128xf32>
    %sub3A_81 = vector.broadcast %div3A_71 : vector<1x128xf32> to vector<10000x128xf32>
    %sub3A_82 = arith.subf %add3A_65, %sub3A_81 : vector<10000x128xf32>
    %add3A_83 = arith.constant 9.99999974E-6 : f32
    %add3A_84 = vector.broadcast %add3A_83 : f32 to vector<1x128xf32>
    %add3A_85 = arith.addf %sub3A_80, %add3A_84 : vector<1x128xf32>
    %rsqrt3A_86 = math.rsqrt %add3A_85 : vector<1x128xf32>
    %mul3A_87 = vector.broadcast %rsqrt3A_86 : vector<1x128xf32> to vector<10000x128xf32>
    %mul3A_88 = arith.mulf %sub3A_82, %mul3A_87 : vector<10000x128xf32>
    %get3A_89 = arith.constant 0 : index
    %get3A_90 = arith.constant 128 : index
    %get3A_91 = vector.load %arg4[%get3A_89, %get3A_90] : memref<1x256xf32, #tpu.memory_space<vmem>>, vector<1x128xf32>
    %mul3A_92 = vector.broadcast %get3A_91 : vector<1x128xf32> to vector<10000x128xf32>
    %mul3A_93 = arith.mulf %mul3A_88, %mul3A_92 : vector<10000x128xf32>
    %get3A_94 = arith.constant 0 : index
    %get3A_95 = arith.constant 128 : index
    %get3A_96 = vector.load %arg5[%get3A_94, %get3A_95] : memref<1x256xf32, #tpu.memory_space<vmem>>, vector<1x128xf32>
    %add3A_97 = vector.broadcast %get3A_96 : vector<1x128xf32> to vector<10000x128xf32>
    %add3A_98 = arith.addf %mul3A_93, %add3A_97 : vector<10000x128xf32>
    %max3A_99 = arith.constant 0.000000e+00 : f32
    %max3A_100 = vector.broadcast %max3A_99 : f32 to vector<10000x128xf32>
    %max3A_101 = arith.maximumf %add3A_98, %max3A_100 : vector<10000x128xf32>
    %get3A_102 = arith.constant 0 : index
    %get3A_103 = arith.constant 0 : index
    %get3A_104 = vector.load %arg6[%get3A_102, %get3A_103] : memref<256x128xf32, #tpu.memory_space<vmem>>, vector<128x128xf32>
    %dot_general3A = arith.constant dense<0.000000e+00> : vector<10000x128xf32>
    %dot_general3A_105 = tpu.matmul %max3A_47, %get3A_104, %dot_general3A {dimension_numbers = #tpu.dot_dimension_numbers<[1], [0], [0], [1], [0, 0, 1, 1], [], []>, transpose_lhs_hint = false} : vector<10000x128xf32>, vector<128x128xf32>, vector<10000x128xf32> -> vector<10000x128xf32>
    %get3A_106 = arith.constant 128 : index
    %get3A_107 = arith.constant 0 : index
    %get3A_108 = vector.load %arg6[%get3A_106, %get3A_107] : memref<256x128xf32, #tpu.memory_space<vmem>>, vector<128x128xf32>
    %dot_general3A_109 = arith.constant dense<0.000000e+00> : vector<10000x128xf32>
    %dot_general3A_110 = tpu.matmul %max3A_101, %get3A_108, %dot_general3A_109 {dimension_numbers = #tpu.dot_dimension_numbers<[1], [0], [0], [1], [0, 0, 1, 1], [], []>, transpose_lhs_hint = false} : vector<10000x128xf32>, vector<128x128xf32>, vector<10000x128xf32> -> vector<10000x128xf32>
    %add3A_111 = arith.addf %dot_general3A_105, %dot_general3A_110 : vector<10000x128xf32>
    %mul3A_112 = vector.broadcast %get3A_1 : vector<10000x1xf32> to vector<10000x128xf32>
    %mul3A_113 = arith.mulf %add3A_111, %mul3A_112 : vector<10000x128xf32>
    %swap3A = arith.constant 0 : index
    %swap3A_114 = arith.constant 0 : index
    %swap3A_115 = vector.load %arg7[%swap3A, %swap3A_114] : memref<10240x128xf32, #tpu.memory_space<vmem>>, vector<10000x128xf32>
    tpu.vector_store %arg7[%swap3A, %swap3A_114], %mul3A_113 {strides = array<i32>} : memref<10240x128xf32, #tpu.memory_space<vmem>>, vector<10000x128xf32>,
    return
  }
}

module attributes {stable_mosaic.version = 14 : i64} {
  func.func @_tc_fin(%arg0: memref<2x10240x128xf32, #tpu.memory_space<vmem>>, %arg1: memref<10240x128xf32, #tpu.memory_space<vmem>>, %arg2: memref<10240x1xf32, #tpu.memory_space<vmem>>, %arg3: memref<1x128xf32, #tpu.memory_space<vmem>>, %arg4: memref<1x128xf32, #tpu.memory_space<vmem>>, %arg5: memref<1x128xf32, #tpu.memory_space<vmem>>, %arg6: memref<10000x128xf32, #tpu.memory_space<vmem>>) attributes {dimension_semantics = [], scalar_prefetch = 0 : i64, scratch_operands = 0 : i64, tpu.core_type = #tpu.core_type<tc>} {
    %get3A = arith.constant 0 : index
    %get3A_0 = arith.constant 0 : index
    %get3A_1 = vector.load %arg2[%get3A, %get3A_0] : memref<10240x1xf32, #tpu.memory_space<vmem>>, vector<10000x1xf32>
    %get3A_2 = arith.constant 0 : index
    %get3A_3 = arith.constant 0 : index
    %get3A_4 = arith.constant 0 : index
    %get3A_5 = vector.load %arg0[%get3A_2, %get3A_3, %get3A_4] : memref<2x10240x128xf32, #tpu.memory_space<vmem>>, vector<1x10000x128xf32>
    %get3A_6 = vector.shape_cast %get3A_5 : vector<1x10000x128xf32> to vector<10000x128xf32>
    %get3A_7 = arith.constant 1 : index
    %get3A_8 = arith.constant 0 : index
    %get3A_9 = arith.constant 0 : index
    %get3A_10 = vector.load %arg0[%get3A_7, %get3A_8, %get3A_9] : memref<2x10240x128xf32, #tpu.memory_space<vmem>>, vector<1x10000x128xf32>
    %get3A_11 = vector.shape_cast %get3A_10 : vector<1x10000x128xf32> to vector<10000x128xf32>
    %add3A = arith.addf %get3A_6, %get3A_11 : vector<10000x128xf32>
    %get3A_12 = arith.constant 0 : index
    %get3A_13 = arith.constant 0 : index
    %get3A_14 = vector.load %arg1[%get3A_12, %get3A_13] : memref<10240x128xf32, #tpu.memory_space<vmem>>, vector<10000x128xf32>
    %add3A_15 = arith.addf %add3A, %get3A_14 : vector<10000x128xf32>
    %mul3A = vector.broadcast %get3A_1 : vector<10000x1xf32> to vector<10000x128xf32>
    %mul3A_16 = arith.mulf %add3A_15, %mul3A : vector<10000x128xf32>
    %get3A_17 = arith.constant 0 : index
    %get3A_18 = arith.constant 0 : index
    %get3A_19 = vector.load %arg3[%get3A_17, %get3A_18] : memref<1x128xf32, #tpu.memory_space<vmem>>, vector<1x128xf32>
    %add3A_20 = vector.broadcast %get3A_19 : vector<1x128xf32> to vector<10000x128xf32>
    %add3A_21 = arith.addf %mul3A_16, %add3A_20 : vector<10000x128xf32>
    %reduce_sum3A = arith.constant dense<0.000000e+00> : vector<128xf32>
    %reduce_sum3A_22 = vector.multi_reduction <add>, %add3A_21, %reduce_sum3A [0] : vector<10000x128xf32> to vector<128xf32>
    %broadcast_in_dim3A = vector.shape_cast %reduce_sum3A_22 : vector<128xf32> to vector<1x128xf32>
    %div3A = arith.constant 1.000000e+04 : f32
    %div3A_23 = vector.broadcast %div3A : f32 to vector<1x128xf32>
    %div3A_24 = arith.divf %broadcast_in_dim3A, %div3A_23 : vector<1x128xf32>
    %mul3A_25 = arith.mulf %add3A_21, %add3A_21 : vector<10000x128xf32>
    %reduce_sum3A_26 = arith.constant dense<0.000000e+00> : vector<128xf32>
    %reduce_sum3A_27 = vector.multi_reduction <add>, %mul3A_25, %reduce_sum3A_26 [0] : vector<10000x128xf32> to vector<128xf32>
    %broadcast_in_dim3A_28 = vector.shape_cast %reduce_sum3A_27 : vector<128xf32> to vector<1x128xf32>
    %div3A_29 = arith.constant 1.000000e+04 : f32
    %div3A_30 = vector.broadcast %div3A_29 : f32 to vector<1x128xf32>
    %div3A_31 = arith.divf %broadcast_in_dim3A_28, %div3A_30 : vector<1x128xf32>
    %mul3A_32 = arith.mulf %div3A_24, %div3A_24 : vector<1x128xf32>
    %sub3A = arith.subf %div3A_31, %mul3A_32 : vector<1x128xf32>
    %sub3A_33 = vector.broadcast %div3A_24 : vector<1x128xf32> to vector<10000x128xf32>
    %sub3A_34 = arith.subf %add3A_21, %sub3A_33 : vector<10000x128xf32>
    %add3A_35 = arith.constant 9.99999974E-6 : f32
    %add3A_36 = vector.broadcast %add3A_35 : f32 to vector<1x128xf32>
    %add3A_37 = arith.addf %sub3A, %add3A_36 : vector<1x128xf32>
    %rsqrt3A = math.rsqrt %add3A_37 : vector<1x128xf32>
    %mul3A_38 = vector.broadcast %rsqrt3A : vector<1x128xf32> to vector<10000x128xf32>
    %mul3A_39 = arith.mulf %sub3A_34, %mul3A_38 : vector<10000x128xf32>
    %get3A_40 = arith.constant 0 : index
    %get3A_41 = arith.constant 0 : index
    %get3A_42 = vector.load %arg4[%get3A_40, %get3A_41] : memref<1x128xf32, #tpu.memory_space<vmem>>, vector<1x128xf32>
    %mul3A_43 = vector.broadcast %get3A_42 : vector<1x128xf32> to vector<10000x128xf32>
    %mul3A_44 = arith.mulf %mul3A_39, %mul3A_43 : vector<10000x128xf32>
    %get3A_45 = arith.constant 0 : index
    %get3A_46 = arith.constant 0 : index
    %get3A_47 = vector.load %arg5[%get3A_45, %get3A_46] : memref<1x128xf32, #tpu.memory_space<vmem>>, vector<1x128xf32>
    %add3A_48 = vector.broadcast %get3A_47 : vector<1x128xf32> to vector<10000x128xf32>
    %add3A_49 = arith.addf %mul3A_44, %add3A_48 : vector<10000x128xf32>
    %swap3A = arith.constant 0 : index
    %swap3A_50 = arith.constant 0 : index
    %swap3A_51 = vector.load %arg6[%swap3A, %swap3A_50] : memref<10000x128xf32, #tpu.memory_space<vmem>>, vector<10000x128xf32>
    tpu.vector_store %arg6[%swap3A, %swap3A_50], %add3A_49 {strides = array<i32>} : memref<10000x128xf32, #tpu.memory_space<vmem>>, vector<10000x128xf32>,
    return
  }
}

</mosaic_0001>

<sc_bundles>
// kernel: kernel.11.cloned.1.call-start
scs
__scs_entry_jumppad:
0x0: {  	(pc) =	sbr.rel $0x88, $3  }
0x1: {  	(tag) =	ssettag $0x0;
	lr =	simm.s32 $0x1  }
0x2: {  	[smem:$0x3F97] =	sst lr;
	_ =	strace $0xD0000000  }
0x3: {  	_ = 	snop  }
0x4: {  	_ = 	snop  }
0x5: {  	_ = 	snop  }
0x6: {  	_ = 	snop  }
0x7: {  	_ = 	snop  }
__scs_overlays_trampoline_lowered:
0x8: {  	[smem:$0x3FA6] =	sst s0  }
0x9: {  	[smem:$0x3FA7] =	sst s1  }
0xa: {  	[smem:$0x3FA8] =	sst s2  }
0xb: {  	[smem:$0x3FA9] =	sst s3  }
0xc: {  	[smem:$0x3FAA] =	sst s4  }
0xd: {  	[smem:$0x3FAB] =	sst s5  }
0xe: {  	[smem:$0x3FAC] =	sst s6  }
0xf: {  	[smem:$0x3FAD] =	sst s7  }
0x10: {  	[smem:$0x3FAE] =	sst s8  }
0x11: {  	[smem:$0x3FAF] =	sst s9;
	s0 =	simm.s32 @!p0 $0x0  }
0x12: {  	s1 =	sld [smem:$0x3F95];
	s0 =	simm.s32 @p0 $0x1  }
0x13: {  	[smem:$0x3FB0] =	sst s0;
	s0 =	simm.s32 @!p1 $0x0  }
0x14: {  	s2 =	sld [smem:$0x3F94];
	s0 =	simm.s32 @p1 $0x1  }
0x15: {  	[smem:$0x3FB1] =	sst s0;
	s0 =	simm.s32 @!p2 $0x0  }
0x16: {  	s3 =	sld [smem:$0x3FDB];
	s0 =	simm.s32 @p2 $0x1  }
0x17: {  	s4 =	simm.s32 $0x1BF5;
	[smem:$0x3FB3] =	sst s0  }
0x18: {  	s0 =	sld [smem:$0x3F96];
	_ =	swait.ge [sflag:s4], $0x0  }
0x19: {  	s7 =	sld [smem:$0x3F97]  }
0x1a: {  	s8 =	sadd.s32 $0xFFFFE003, lr  }
0x1b: {  	s9 =	sadd.s32 $0xFFFFFEF7, lr;
	s5 =	simm.s32 $0xFFFFFFFF;
	p2 =	slt.u32 s8, $0xFFFFF086  }
0x1c: {  	p1 =	slt.u32 s9, $0xF7A;
	s5 =	simm.s32 @!p2 $0x0  }
0x1d: {  	s5 =	simm.s32 @p1 $0x1;
	p0 =	seq.s32 s7, s2  }
0x1e: {  	s7 =	smul.u32 @!p0 $0xF7A, s2;
	p2 =	seq.s32 @!p0 s5, $0x0  }
0x1f: {  	s9 =	smul.u32 $0xF7A, s1;
	s8 =	simm.s32 @!p0 $0x1BF5;
	p2 =	por !p2, p0  }
0x20: {  	[sflag:s8] =	ssyncset.s32 @!p0 $0xFFFFF086;
	s6 =	sadd.s32 @!p0 s3, s7;
	s7 =	simm.s32 @!p0 $0x108  }
0x21: {  	s3 =	sadd.s32 s3, s9;
	s6 =	sadd.s32 @!p0 $0x88, s6;
	s7 =	simm.s32 @p2 $0x1082  }
0x22: {  	[simem:s7], [sflag:s8] =	dma.local @!p0 [hbm:s6], $0xF7A  }
0x23: {  	s9 =	sor.u32 $0xD0000000, s2;
	s6 =	simm.s32 $0x108;
	_ =	swait.ge @!p0 [sflag:s8], $0x0  }
0x24: {  	s3 =	sadd.s32 $0x88, s3;
	s6 =	simm.s32 @!p1 $0x1082;
	[sflag:s4] =	ssyncset.s32 $0xFFFFF086  }
0x25: {  	[simem:s6], [sflag:s4] =	dma.local [hbm:s3], $0xF7A  }
0x26: {  	[smem:$0x3F97] =	sst s1;
	(tag) =	ssettag s2;
	_ =	strace s9  }
0x27: {  	s1 =	sld [smem:$0x3FA7]  }
0x28: {  	s2 =	sld [smem:$0x3FA8]  }
0x29: {  	s4 =	sld [smem:$0x3FAA]  }
0x2a: {  	p0 =	seq.s32 s5, $0x0;
	s5 =	sld [smem:$0x3FAB]  }
0x2b: {  	s6 =	sld [smem:$0x3FAC]  }
0x2c: {  	s7 =	sld [smem:$0x3FAD]  }
0x2d: {  	s3 =	simm.s32 $0x108;
	s8 =	sld [smem:$0x3FAE]  }
0x2e: {  	s3 =	simm.s32 @!p0 $0x1082;
	s9 =	sld [smem:$0x3FAF]  }
0x2f: {  	lr =	sadd.s32 s0, s3;
	s0 =	sld [smem:$0x3FA6]  }
0x30: {  	s3 =	sld [smem:$0x3FA9]  }
0x31: {  	[smem:$0x3FB2] =	sst s10  }
0x32: {  	s10 =	sld [smem:$0x3FB0];
	_ =	sdelay $0x3  }
0x33: {  	p0 =	seq.s32 s10, $0x1;
	s10 =	sld [smem:$0x3FB2];
	_ =	sdelay $0x3  }
0x34: {  	[smem:$0x3FB2] =	sst s10  }
0x35: {  	s10 =	sld [smem:$0x3FB1];
	_ =	sdelay $0x3  }
0x36: {  	p1 =	seq.s32 s10, $0x1;
	s10 =	sld [smem:$0x3FB2];
	_ =	sdelay $0x3  }
0x37: {  	[smem:$0x3FB2] =	sst s10  }
0x38: {  	s10 =	sld [smem:$0x3FB3]  }
0x39: {  	_ = 	snop;
	(pc) =	sbr.ind lr, $3  }
0x3a: {  	_ = 	snop  }
0x3b: {  	_ = 	snop  }
0x3c: {  	p2 =	seq.s32 s10, $0x1;
	s10 =	sld [smem:$0x3FB2]  }
0x3d: {  	_ =	shalt  }
0x3e: {  	_ =	shalt  }
0x3f: {  	_ =	shalt  }
0x40: {  	_ =	shalt  }
0x41: {  	_ =	shalt  }
0x42: {  	_ =	shalt  }
0x43: {  	_ =	shalt  }
0x44: {  	_ =	shalt  }
0x45: {  	_ =	shalt  }
0x46: {  	_ =	shalt  }
0x47: {  	_ =	shalt  }
0x48: {  	_ =	shalt  }
0x49: {  	_ =	shalt  }
0x4a: {  	_ =	shalt  }
0x4b: {  	_ =	shalt  }
0x4c: {  	_ =	shalt  }
0x4d: {  	_ =	shalt  }
0x4e: {  	_ =	shalt  }
0x4f: {  	_ =	shalt  }
0x50: {  	_ =	shalt  }
0x51: {  	_ =	shalt  }
0x52: {  	_ =	shalt  }
0x53: {  	_ =	shalt  }
0x54: {  	_ =	shalt  }
0x55: {  	_ =	shalt  }
0x56: {  	_ =	shalt  }
0x57: {  	_ =	shalt  }
0x58: {  	_ =	shalt  }
0x59: {  	_ =	shalt  }
0x5a: {  	_ =	shalt  }
0x5b: {  	_ =	shalt  }
0x5c: {  	_ =	shalt  }
0x5d: {  	_ =	shalt  }
0x5e: {  	_ =	shalt  }
0x5f: {  	_ =	shalt  }
0x60: {  	_ =	shalt  }
0x61: {  	_ =	shalt  }
0x62: {  	_ =	shalt  }
0x63: {  	_ =	shalt  }
0x64: {  	_ =	shalt  }
0x65: {  	_ =	shalt  }
0x66: {  	_ =	shalt  }
0x67: {  	_ =	shalt  }
0x68: {  	_ =	shalt  }
0x69: {  	_ =	shalt  }
0x6a: {  	_ =	shalt  }
0x6b: {  	_ =	shalt  }
0x6c: {  	_ =	shalt  }
0x6d: {  	_ =	shalt  }
0x6e: {  	_ =	shalt  }
0x6f: {  	_ =	shalt  }
0x70: {  	_ =	shalt  }
0x71: {  	_ =	shalt  }
0x72: {  	_ =	shalt  }
0x73: {  	_ =	shalt  }
0x74: {  	_ =	shalt  }
0x75: {  	_ =	shalt  }
0x76: {  	_ =	shalt  }
0x77: {  	_ =	shalt  }
0x78: {  	_ =	shalt  }
0x79: {  	_ =	shalt  }
0x7a: {  	_ =	shalt  }
0x7b: {  	_ =	shalt  }
0x7c: {  	_ =	shalt  }
0x7d: {  	_ =	shalt  }
0x7e: {  	_ =	shalt  }
0x7f: {  	_ =	shalt  }
0x80: {  	_ =	shalt  }
0x81: {  	_ =	shalt  }
0x82: {  	_ =	shalt  }
0x83: {  	_ =	shalt  }
0x84: {  	_ =	shalt  }
0x85: {  	_ =	shalt  }
0x86: {  	_ =	shalt  }
0x87: {  	_ =	shalt  }
.Lfunc_end0:
.L_simem_size_0:
called_computation.1_lowered:
.L_overlay_start_0:
0x88: {  	s2 =	sld [smem:$0x3FD9]  }
0x89: {  	s3 =	sld [smem:$0x3FFE];
	_ =	sdelay $0x1  }
0x8a: {  	s1 =	srdreg.scid  }
0x8b: {  	s0 =	sand.u32 $0x1, s1  }
0x8c: {  	s17 =	sshll.u32 s0, $0xA;
	s2 =	sadd.s32 s3, s2  }
0x8d: {  	s2 =	sadd.s32 s2, s17  }
0x8e: {  	[smem:$0x3FBE] =	sst s2  }
0x8f: {  	_ = 	snop  }
0x90: {  	s2 =	sld [smem:$0x3FD0];
	(tm) =	ssettm $0x1  }
0x91: {  	s18 =	sld [smem:$0x3FFB];
	_ =	sdelay $0x3  }
0x92: {  	_ =	strace s18  }
0x93: {  	s3 =	sld [smem:$0x3FFC];
	_ =	sdelay $0x3  }
0x94: {  	_ =	strace s3  }
0x95: {  	s3 =	sld [smem:$0x3FFD];
	_ =	sdelay $0x3  }
0x96: {  	_ =	strace s3  }
0x97: {  	_ =	strace $0x8FFFFFFF  }
0x98: {  	s19 =	sld [smem:$0x3FDB];
	_ =	sdelay $0x1  }
0x99: {  	s4 =	simm.s32 $_scs_section_size  }
0x9a: {  	s5 =	simm.s32 $_size__tile_overlayer_lowered;
	s6 =	simm.s32 $_tile_overlayer_lowered  }
0x9b: {  	s22 =	simm.s32 $0x1BFF;
	s21 =	sshll.u32 s6, $0x1;
	s3 =	sadd.s32 s4, s19  }
0x9c: {  	s7 =	simm.s32 $0x0;
	s20 =	sshll.u32 s5, $0x1;
	s5 =	sadd.s32 s21, s3  }
0x9d: {  	[timem:s7], [sflag:s22] =	dma.local [hbm:s5], s20  }
0x9e: {  	_ =	swait.ge [sflag:s22], s20  }
0x9f: {  	s4 =	ssub.s32 $0x0, s20;
	[sflag:s22] =	ssyncset.done $0x0  }
0xa0: {  	[sflag:s22] =	ssyncadd.s32 s4;
	_ =	sdelay $0x1  }
0xa1: {  	s23 =	simm.s32 $0x1B8B  }
0xa2: {  	_ =	swait.ge [sflag:s23], $0x1  }
0xa3: {  	[sflag:s23] =	ssyncset.done $0x0  }
0xa4: {  	s25 =	simm.s32 $0x1B8E;
	s24 =	sld [smem:$0x3FFE];
	[sflag:s23] =	ssyncadd.s32 $0xFFFFFFFF  }
0xa5: {  	s26 =	simm.s32 $execute0_lowered;
	[smem:$0x3FD2] =	sst s25  }
0xa6: {  	s5 =	sshll.u32 s26, $0x1;
	_ =	strace $0x80000049;
	[dreg:$0x1] =	wrdreg $0xFFFFFFFF  }
0xa7: {  	s28 =	simm.s32 $_size_execute0_lowered;
	s3 =	sadd.s32 s3, s5;
	[dreg:$0x0] =	wrdreg $0x0  }
0xa8: {  	s5 =	sshll.u32 s28, $0x1;
	[dreg:$0x2] =	wrdreg s3  }
0xa9: {  	[dreg:$0x3] =	wrdreg s5  }
0xaa: {  	[dreg:$0x4] =	wrdreg $0xC0  }
0xab: {  	_ =	task [dreg:s7], $0x5FFFF  }
0xac: {  	[dreg:$0x1] =	wrdreg $0xFFFFFFFF  }
0xad: {  	[dreg:$0x0] =	wrdreg $0x60  }
0xae: {  	[dreg:$0x2] =	wrdreg s24  }
0xaf: {  	[dreg:$0x3] =	wrdreg s2  }
0xb0: {  	[dreg:$0x4] =	wrdreg $0xB0000  }
0xb1: {  	[dreg:$0x5] =	wrdreg $0x9  }
0xb2: {  	_ =	task.clear_ibuf [dreg:s7], $0x6FFFF;
	_ =	strace $0x90000049  }
0xb3: {  	s29 =	simm.s32 $0x9;
	_ =	strace $0x8000004B  }
0xb4: {  	_ =	swait.ge [sflag:s29], $0x1  }
0xb5: {  	[sflag:s29] =	ssyncadd.s32 $0xFFFFFFFF  }
0xb6: {  	_ =	strace $0x9000004B  }
0xb7: {  	_ =	sfence  }
0xb8: {  	s30 =	sld [smem:$0x0];
	_ =	sdelay $0x2  }
0xb9: {  	s31 =	sshll.u32 s1, $0xD;
	s1 =	sshrl.u32 s1, $0x2  }
0xba: {  	s3 =	sand.u32 $0x4000, s31;
	s1 =	sadd.s32 s1, s30  }
0xbb: {  	s0 =	sor.u32 s3, s0;
	s1 =	sshll.u32 s1, $0x11  }
0xbc: {  	s0 =	sor.u32 s1, s0  }
0xbd: {  	s0 =	sadd.s32 $0x8F2B, s0  }
0xbe: {  	[sflag:s0] =	ssyncadd.remote.s32 $0x1  }
0xbf: {  	_ =	sfence.sel $0xFFFF  }
0xc0: {  	[dreg:$0x0] =	wrdreg $0xFFFFFFFF;
	(pc) =	sbr.abs _section_cstart, $3  }
0xc1: {  	[dreg:$0x1] =	wrdreg $0xFFFFFFFF  }
0xc2: {  	_ =	task.clear_ibuf [dreg:s7], $0x2FFFF;
	_ =	strace $0x9FFFFFFF  }
0xc3: {  	(tm) =	ssettm $0x7FFFFFFF  }
tec
execute0_lowered:
.L_overlay_start_1:
0x0: {  	(tag) =	ssettag $0x1  }
0x1: {  	s0 =	rddreg [dreg:$0x0]  }
0x2: {  	s2 =	rddreg [dreg:$0x1]  }
0x3: {  	s1 =	rddreg [dreg:$0x2];
	s3 =	srdreg.scid  }
0x4: {  	s11 =	stileid.u32;
	s12 =	simm.s32 $0x3;
	s13 =	simm.s32 $0x800  }
0x5: {  	s14 =	simm.s32 $0xA0;
	s15 =	simm.s32 $0x1000;
	s16 =	simm.s32 $0x100  }
0x6: {  	s17 =	simm.s32 $0x6000;
	s18 =	simm.s32 $0x1;
	s19 =	simm.s32 $0x200  }
0x7: {  	s28 =	simm.s32 $0xC00;
	s29 =	simm.s32 $0x600;
	s30 =	simm.s32 $0xD00  }
0x8: {  	s31 =	simm.s32 $0x700;
	s5 =	sand.u32 $0x1, s3;
	s8 =	smul.u32 $0x14000, s11  }
0x9: {  	s3 =	simm.s32 $0x0;
	s4 =	sadd.s32 $0xFA00, s0;
	s20 =	smul.u32 $0x50000, s11  }
0xa: {  	s10 =	sadd.s32 $0xD200, s0;
	s23 =	sshll.u32 s11, $0x6;
	s24 =	sshll.u32 s11, $0xC  }
0xb: {  	s6 =	smul.u32 $0x140000, s5;
	[smem:$0x7FF] =	sst s3;
	s7 =	sshll.u32 s5, $0x10  }
0xc: {  	s5 =	ssub.s32 $0x2, s5;
	_ =	strace $0x8000004A;
	s9 =	sadd.s32 s7, s0  }
0xd: {  	[dreg:$0x4] =	wrdreg s10;
	s21 =	sshrl.u32 s5, $0x1;
	s22 =	sshrl.u32 s20, $0x2  }
0xe: {  	s26 =	sadd.s32 s7, s2;
	s20 =	simm.s32 $0x2;
	s2 =	simm.s32 $0xF00  }
0xf: {  	s7 =	simm.s32 $0x0;
	s6 =	sadd.s32 s8, s6;
	s5 =	ssub.s32 s5, s21  }
0x10: {  	s8 =	sor.u32 $0x1C03, s23;
	s25 =	sadd.s32 s24, s9;
	s10 =	sadd.s32 s24, s26  }
0x11: {  	s21 =	simm.s32 $0x900;
	s23 =	simm.s32 $0xA00;
	s24 =	simm.s32 $0x400  }
0x12: {  	s26 =	simm.s32 $0x500;
	s6 =	sshrl.u32 s6, $0x3;
	s5 =	smax.u32 s5, $0x1  }
0x13: {  	s9 =	sadd.s32 $0x5FA00, s25;
	[dreg:$0x5] =	wrdreg s8;
	s0 =	sadd.s32 s6, s0  }
0x14: {  	s6 =	sadd.s32 s22, s1;
	[dreg:$0x7] =	wrdreg s5;
	s0 =	sadd.s32 $0x7FA00, s0  }
0x15: {  	s25 =	simm.s32 $0xB00;
	s6 =	sshrl.u32 s6, $0x3;
	[dreg:$0x6] =	wrdreg s0  }
0x16: {  	s22 =	simm.s32 $0x300;
	s0 =	simm.s32 $0xE00;
	[dreg:$0x8] =	wrdreg s6  }
.LBB2_1:
0x17: {  	[dreg:$0x9] =	wrdreg s7  }
0x18: {  	s5 =	rddreg [dreg:$0x4]  }
0x19: {  	[spmem:s6], [sflag:s8] =	dma.local [hbm:s5], $0x2800  }
0x1a: {  	_ =	swait.ge [sflag:s12], $0x2800  }
0x1b: {  	[sflag:s12] =	ssyncset.done $0x0  }
0x1c: {  	[sflag:s12] =	ssyncadd.s32 $0xFFFFD800  }
0x1d: {  	s8 =	sadd.s32 $0x0, s10;
	[bflag:$0x0] =	sbarrier.arrive $0xFFFF  }
0x1e: {  	[tilespmem:s3], [sflag:$0x3] =	stream.linear.gather [hbm4b:s8+s3], $0x800, $0x38;
	[tilespmem:$0x1F000] =	vst v63  }
0x1f: {  	_ =	swait.ge [sflag:s12], $0x800  }
0x20: {  	[sflag:s12] =	ssyncset.done $0x0  }
0x21: {  	s11 =	sadd.s32 $0x0, s9;
	[sflag:s12] =	ssyncadd.s32 $0xFFFFF800  }
0x22: {  	[tilespmem:s13], [sflag:$0x3] =	stream.linear.gather [hbm4b:s11+s3], $0x800, $0x38;
	[tilespmem:$0x1F000] =	vst v63  }
0x23: {  	_ =	swait.ge [sflag:s12], $0x800  }
0x24: {  	[sflag:s12] =	ssyncset.done $0x0  }
0x25: {  	[sflag:s12] =	ssyncadd.s32 $0xFFFFF800  }
0x26: {  	[tilespmem:s15], [sflag:$0x1] =	stream.indirect.gather [hbm4b:s4+s14], $0x80, s3, s14, $0xb8;
	[tilespmem:$0x1F000] =	vst v63  }
0x27: {  	_ = 	snop  }
0x28: {  	[tilespmem:s17], [sflag:$0x2] =	stream.indirect.gather [hbm4b:s4+s14], $0x80, s16, s14, $0xb8;
	[tilespmem:$0x1F000] =	vst v63  }
0x29: {  	_ =	swait.ge [sflag:s18], $0x5000  }
0x2a: {  	[sflag:s18] =	ssyncset.done $0x0  }
0x2b: {  	[sflag:s18] =	ssyncadd.s32 $0xFFFFB000  }
0x2c: {  	[spmem:s1] =	stream.indirect.scatter.add.f32 [tilespmem:s15], [sflag:$0x3], $0x80, s13, s14, $0xb8;
	[tilespmem:$0x1F000] =	vst v63  }
0x2d: {  	_ =	swait.ge [sflag:s12], $0x5000  }
0x2e: {  	[sflag:s12] =	ssyncset.done $0x0  }
0x2f: {  	[sflag:s12] =	ssyncadd.s32 $0xFFFFB000  }
0x30: {  	[tilespmem:s15], [sflag:$0x1] =	stream.indirect.gather [hbm4b:s4+s14], $0x80, s19, s14, $0xb8;
	[tilespmem:$0x1F000] =	vst v63  }
0x31: {  	_ =	swait.ge [sflag:s20], $0x5000  }
0x32: {  	[sflag:s20] =	ssyncset.done $0x0  }
0x33: {  	[sflag:s20] =	ssyncadd.s32 $0xFFFFB000  }
0x34: {  	[spmem:s1] =	stream.indirect.scatter.add.f32 [tilespmem:s17], [sflag:$0x3], $0x80, s21, s14, $0xb8;
	[tilespmem:$0x1F000] =	vst v63  }
0x35: {  	_ =	swait.ge [sflag:s12], $0x5000  }
0x36: {  	[sflag:s12] =	ssyncset.done $0x0  }
0x37: {  	[sflag:s12] =	ssyncadd.s32 $0xFFFFB000  }
0x38: {  	[tilespmem:s17], [sflag:$0x2] =	stream.indirect.gather [hbm4b:s4+s14], $0x80, s22, s14, $0xb8;
	[tilespmem:$0x1F000] =	vst v63  }
0x39: {  	_ =	swait.ge [sflag:s18], $0x5000  }
0x3a: {  	[sflag:s18] =	ssyncset.done $0x0  }
0x3b: {  	[sflag:s18] =	ssyncadd.s32 $0xFFFFB000  }
0x3c: {  	[spmem:s1] =	stream.indirect.scatter.add.f32 [tilespmem:s15], [sflag:$0x3], $0x80, s23, s14, $0xb8;
	[tilespmem:$0x1F000] =	vst v63  }
0x3d: {  	_ =	swait.ge [sflag:s12], $0x5000  }
0x3e: {  	[sflag:s12] =	ssyncset.done $0x0  }
0x3f: {  	[sflag:s12] =	ssyncadd.s32 $0xFFFFB000  }
0x40: {  	[tilespmem:s15], [sflag:$0x1] =	stream.indirect.gather [hbm4b:s4+s14], $0x80, s24, s14, $0xb8;
	[tilespmem:$0x1F000] =	vst v63  }
0x41: {  	_ =	swait.ge [sflag:s20], $0x5000  }
0x42: {  	[sflag:s20] =	ssyncset.done $0x0  }
0x43: {  	[sflag:s20] =	ssyncadd.s32 $0xFFFFB000  }
0x44: {  	[spmem:s1] =	stream.indirect.scatter.add.f32 [tilespmem:s17], [sflag:$0x3], $0x80, s25, s14, $0xb8;
	[tilespmem:$0x1F000] =	vst v63  }
0x45: {  	_ =	swait.ge [sflag:s12], $0x5000  }
0x46: {  	[sflag:s12] =	ssyncset.done $0x0  }
0x47: {  	[sflag:s12] =	ssyncadd.s32 $0xFFFFB000  }
0x48: {  	[tilespmem:s17], [sflag:$0x2] =	stream.indirect.gather [hbm4b:s4+s14], $0x80, s26, s14, $0xb8;
	[tilespmem:$0x1F000] =	vst v63  }
0x49: {  	_ =	swait.ge [sflag:s18], $0x5000  }
0x4a: {  	[sflag:s18] =	ssyncset.done $0x0  }
0x4b: {  	[sflag:s18] =	ssyncadd.s32 $0xFFFFB000  }
0x4c: {  	[spmem:s1] =	stream.indirect.scatter.add.f32 [tilespmem:s15], [sflag:$0x3], $0x80, s28, s14, $0xb8;
	[tilespmem:$0x1F000] =	vst v63  }
0x4d: {  	_ =	swait.ge [sflag:s12], $0x5000  }
0x4e: {  	[sflag:s12] =	ssyncset.done $0x0  }
0x4f: {  	[sflag:s12] =	ssyncadd.s32 $0xFFFFB000  }
0x50: {  	[tilespmem:s15], [sflag:$0x1] =	stream.indirect.gather [hbm4b:s4+s14], $0x80, s29, s14, $0xb8;
	[tilespmem:$0x1F000] =	vst v63  }
0x51: {  	_ =	swait.ge [sflag:s20], $0x5000  }
0x52: {  	[sflag:s20] =	ssyncset.done $0x0  }
0x53: {  	[sflag:s20] =	ssyncadd.s32 $0xFFFFB000  }
0x54: {  	[spmem:s1] =	stream.indirect.scatter.add.f32 [tilespmem:s17], [sflag:$0x3], $0x80, s30, s14, $0xb8;
	[tilespmem:$0x1F000] =	vst v63  }
0x55: {  	_ =	swait.ge [sflag:s12], $0x5000  }
0x56: {  	[sflag:s12] =	ssyncset.done $0x0  }
0x57: {  	[sflag:s12] =	ssyncadd.s32 $0xFFFFB000  }
0x58: {  	[tilespmem:s17], [sflag:$0x2] =	stream.indirect.gather [hbm4b:s4+s14], $0x80, s31, s14, $0xb8;
	[tilespmem:$0x1F000] =	vst v63  }
0x59: {  	_ =	swait.ge [sflag:s18], $0x5000  }
0x5a: {  	[sflag:s18] =	ssyncset.done $0x0  }
0x5b: {  	[sflag:s18] =	ssyncadd.s32 $0xFFFFB000  }
0x5c: {  	[spmem:s1] =	stream.indirect.scatter.add.f32 [tilespmem:s15], [sflag:$0x3], $0x80, s0, s14, $0xb8;
	[tilespmem:$0x1F000] =	vst v63  }
0x5d: {  	_ =	swait.ge [sflag:s12], $0x5000  }
0x5e: {  	[sflag:s12] =	ssyncset.done $0x0  }
0x5f: {  	[sflag:s12] =	ssyncadd.s32 $0xFFFFB000  }
0x60: {  	_ =	swait.ge [sflag:s20], $0x5000  }
0x61: {  	[sflag:s20] =	ssyncset.done $0x0  }
0x62: {  	[sflag:s20] =	ssyncadd.s32 $0xFFFFB000  }
0x63: {  	[spmem:s1] =	stream.indirect.scatter.add.f32 [tilespmem:s17], [sflag:$0x3], $0x80, s2, s14, $0xb8;
	[tilespmem:$0x1F000] =	vst v63  }
0x64: {  	_ =	swait.ge [sflag:s12], $0x5000  }
0x65: {  	s7 =	simm.s32 $0x100;
	s8 =	simm.s32 $0x200;
	[sflag:s12] =	ssyncset.done $0x0  }
.LBB2_2:
0x66: {  	s11 =	sadd.s32 s7, s10  }
0x67: {  	[sflag:s12] =	ssyncadd.s32 $0xFFFFB000;
	s5 =	smov.u32 s8;
	s6 =	sadd.s32 $0x100, s8  }
0x68: {  	[tilespmem:s3], [sflag:$0x3] =	stream.linear.gather [hbm4b:s11+s3], $0x800, $0x38;
	[tilespmem:$0x1F000] =	vst v63  }
0x69: {  	p0 =	sne.s32 s8, $0xF00;
	_ =	swait.ge [sflag:s12], $0x800  }
0x6a: {  	[sflag:s12] =	ssyncset.done $0x0  }
0x6b: {  	s8 =	sadd.s32 s7, s9;
	s7 =	smov.u32 s5;
	[sflag:s12] =	ssyncadd.s32 $0xFFFFF800  }
0x6c: {  	[tilespmem:s13], [sflag:$0x3] =	stream.linear.gather [hbm4b:s8+s3], $0x800, $0x38;
	[tilespmem:$0x1F000] =	vst v63  }
0x6d: {  	_ =	swait.ge [sflag:s12], $0x800  }
0x6e: {  	[sflag:s12] =	ssyncset.done $0x0  }
0x6f: {  	[sflag:s12] =	ssyncadd.s32 $0xFFFFF800  }
0x70: {  	[tilespmem:s15], [sflag:$0x1] =	stream.indirect.gather [hbm4b:s4+s14], $0x80, s3, s14, $0xb8;
	[tilespmem:$0x1F000] =	vst v63  }
0x71: {  	_ = 	snop  }
0x72: {  	[tilespmem:s17], [sflag:$0x2] =	stream.indirect.gather [hbm4b:s4+s14], $0x80, s16, s14, $0xb8;
	[tilespmem:$0x1F000] =	vst v63  }
0x73: {  	_ =	swait.ge [sflag:s18], $0x5000  }
0x74: {  	[sflag:s18] =	ssyncset.done $0x0  }
0x75: {  	[sflag:s18] =	ssyncadd.s32 $0xFFFFB000  }
0x76: {  	[spmem:s1] =	stream.indirect.scatter.add.f32 [tilespmem:s15], [sflag:$0x3], $0x80, s13, s14, $0xb8;
	[tilespmem:$0x1F000] =	vst v63  }
0x77: {  	_ =	swait.ge [sflag:s12], $0x5000  }
0x78: {  	[sflag:s12] =	ssyncset.done $0x0  }
0x79: {  	[sflag:s12] =	ssyncadd.s32 $0xFFFFB000  }
0x7a: {  	[tilespmem:s15], [sflag:$0x1] =	stream.indirect.gather [hbm4b:s4+s14], $0x80, s19, s14, $0xb8;
	[tilespmem:$0x1F000] =	vst v63  }
0x7b: {  	_ =	swait.ge [sflag:s20], $0x5000  }
0x7c: {  	[sflag:s20] =	ssyncset.done $0x0  }
0x7d: {  	[sflag:s20] =	ssyncadd.s32 $0xFFFFB000  }
0x7e: {  	[spmem:s1] =	stream.indirect.scatter.add.f32 [tilespmem:s17], [sflag:$0x3], $0x80, s21, s14, $0xb8;
	[tilespmem:$0x1F000] =	vst v63  }
0x7f: {  	_ =	swait.ge [sflag:s12], $0x5000  }
0x80: {  	[sflag:s12] =	ssyncset.done $0x0  }
0x81: {  	[sflag:s12] =	ssyncadd.s32 $0xFFFFB000  }
0x82: {  	[tilespmem:s17], [sflag:$0x2] =	stream.indirect.gather [hbm4b:s4+s14], $0x80, s22, s14, $0xb8;
	[tilespmem:$0x1F000] =	vst v63  }
0x83: {  	_ =	swait.ge [sflag:s18], $0x5000  }
0x84: {  	[sflag:s18] =	ssyncset.done $0x0  }
0x85: {  	[sflag:s18] =	ssyncadd.s32 $0xFFFFB000  }
0x86: {  	[spmem:s1] =	stream.indirect.scatter.add.f32 [tilespmem:s15], [sflag:$0x3], $0x80, s23, s14, $0xb8;
	[tilespmem:$0x1F000] =	vst v63  }
0x87: {  	_ =	swait.ge [sflag:s12], $0x5000  }
0x88: {  	[sflag:s12] =	ssyncset.done $0x0  }
0x89: {  	[sflag:s12] =	ssyncadd.s32 $0xFFFFB000  }
0x8a: {  	[tilespmem:s15], [sflag:$0x1] =	stream.indirect.gather [hbm4b:s4+s14], $0x80, s24, s14, $0xb8;
	[tilespmem:$0x1F000] =	vst v63  }
0x8b: {  	_ =	swait.ge [sflag:s20], $0x5000  }
0x8c: {  	[sflag:s20] =	ssyncset.done $0x0  }
0x8d: {  	[sflag:s20] =	ssyncadd.s32 $0xFFFFB000  }
0x8e: {  	[spmem:s1] =	stream.indirect.scatter.add.f32 [tilespmem:s17], [sflag:$0x3], $0x80, s25, s14, $0xb8;
	[tilespmem:$0x1F000] =	vst v63  }
0x8f: {  	_ =	swait.ge [sflag:s12], $0x5000  }
0x90: {  	[sflag:s12] =	ssyncset.done $0x0  }
0x91: {  	[sflag:s12] =	ssyncadd.s32 $0xFFFFB000  }
0x92: {  	[tilespmem:s17], [sflag:$0x2] =	stream.indirect.gather [hbm4b:s4+s14], $0x80, s26, s14, $0xb8;
	[tilespmem:$0x1F000] =	vst v63  }
0x93: {  	_ =	swait.ge [sflag:s18], $0x5000  }
0x94: {  	[sflag:s18] =	ssyncset.done $0x0  }
0x95: {  	[sflag:s18] =	ssyncadd.s32 $0xFFFFB000  }
0x96: {  	[spmem:s1] =	stream.indirect.scatter.add.f32 [tilespmem:s15], [sflag:$0x3], $0x80, s28, s14, $0xb8;
	[tilespmem:$0x1F000] =	vst v63  }
0x97: {  	_ =	swait.ge [sflag:s12], $0x5000  }
0x98: {  	[sflag:s12] =	ssyncset.done $0x0  }
0x99: {  	[sflag:s12] =	ssyncadd.s32 $0xFFFFB000  }
0x9a: {  	[tilespmem:s15], [sflag:$0x1] =	stream.indirect.gather [hbm4b:s4+s14], $0x80, s29, s14, $0xb8;
	[tilespmem:$0x1F000] =	vst v63  }
0x9b: {  	_ =	swait.ge [sflag:s20], $0x5000  }
0x9c: {  	[sflag:s20] =	ssyncset.done $0x0  }
0x9d: {  	[sflag:s20] =	ssyncadd.s32 $0xFFFFB000  }
0x9e: {  	[spmem:s1] =	stream.indirect.scatter.add.f32 [tilespmem:s17], [sflag:$0x3], $0x80, s30, s14, $0xb8;
	[tilespmem:$0x1F000] =	vst v63  }
0x9f: {  	_ =	swait.ge [sflag:s12], $0x5000  }
0xa0: {  	[sflag:s12] =	ssyncset.done $0x0  }
0xa1: {  	[sflag:s12] =	ssyncadd.s32 $0xFFFFB000  }
0xa2: {  	[tilespmem:s17], [sflag:$0x2] =	stream.indirect.gather [hbm4b:s4+s14], $0x80, s31, s14, $0xb8;
	[tilespmem:$0x1F000] =	vst v63  }
0xa3: {  	_ =	swait.ge [sflag:s18], $0x5000  }
0xa4: {  	[sflag:s18] =	ssyncset.done $0x0  }
0xa5: {  	[sflag:s18] =	ssyncadd.s32 $0xFFFFB000  }
0xa6: {  	[spmem:s1] =	stream.indirect.scatter.add.f32 [tilespmem:s15], [sflag:$0x3], $0x80, s0, s14, $0xb8;
	[tilespmem:$0x1F000] =	vst v63  }
0xa7: {  	_ =	swait.ge [sflag:s12], $0x5000  }
0xa8: {  	[sflag:s12] =	ssyncset.done $0x0  }
0xa9: {  	[sflag:s12] =	ssyncadd.s32 $0xFFFFB000  }
0xaa: {  	_ =	swait.ge [sflag:s20], $0x5000  }
.Ltmp0:
0xab: {  	[sflag:s20] =	ssyncset.done $0x0;
	(pc) =	sbr.rel @p0 .LBB2_2-.Ltmp0, $4  }
0xac: {  	[sflag:s20] =	ssyncadd.s32 $0xFFFFB000  }
0xad: {  	[spmem:s1] =	stream.indirect.scatter.add.f32 [tilespmem:s17], [sflag:$0x3], $0x80, s2, s14, $0xb8;
	[tilespmem:$0x1F000] =	vst v63  }
0xae: {  	_ =	swait.ge [sflag:s12], $0x5000  }
0xaf: {  	s8 =	smov.u32 s6;
	[sflag:s12] =	ssyncset.done $0x0  }
0xb0: {  	s5 =	sadd.s32 s7, s10;
	[sflag:s12] =	ssyncadd.s32 $0xFFFFB000  }
0xb1: {  	[tilespmem:s3], [sflag:$0x3] =	stream.linear.gather [hbm4b:s5+s3], $0x800, $0x38;
	[tilespmem:$0x1F000] =	vst v63  }
0xb2: {  	_ =	swait.ge [sflag:s12], $0x800  }
0xb3: {  	[sflag:s12] =	ssyncset.done $0x0  }
0xb4: {  	s8 =	sadd.s32 s7, s9;
	[sflag:s12] =	ssyncadd.s32 $0xFFFFF800  }
0xb5: {  	[tilespmem:s13], [sflag:$0x3] =	stream.linear.gather [hbm4b:s8+s3], $0x800, $0x38;
	[tilespmem:$0x1F000] =	vst v63  }
0xb6: {  	_ =	swait.ge [sflag:s12], $0x800  }
0xb7: {  	[sflag:s12] =	ssyncset.done $0x0  }
0xb8: {  	[sflag:s12] =	ssyncadd.s32 $0xFFFFF800  }
0xb9: {  	[tilespmem:s15], [sflag:$0x1] =	stream.indirect.gather [hbm4b:s4+s14], $0x80, s3, s14, $0xb8;
	[tilespmem:$0x1F000] =	vst v63  }
0xba: {  	_ = 	snop  }
0xbb: {  	[tilespmem:s17], [sflag:$0x2] =	stream.indirect.gather [hbm4b:s4+s14], $0x80, s16, s14, $0xb8;
	[tilespmem:$0x1F000] =	vst v63  }
0xbc: {  	_ =	swait.ge [sflag:s18], $0x5000  }
0xbd: {  	[sflag:s18] =	ssyncset.done $0x0  }
0xbe: {  	[sflag:s18] =	ssyncadd.s32 $0xFFFFB000  }
0xbf: {  	[spmem:s1] =	stream.indirect.scatter.add.f32 [tilespmem:s15], [sflag:$0x3], $0x80, s13, s14, $0xb8;
	[tilespmem:$0x1F000] =	vst v63  }
0xc0: {  	_ =	swait.ge [sflag:s12], $0x5000  }
0xc1: {  	[sflag:s12] =	ssyncset.done $0x0  }
0xc2: {  	[sflag:s12] =	ssyncadd.s32 $0xFFFFB000  }
0xc3: {  	[tilespmem:s15], [sflag:$0x1] =	stream.indirect.gather [hbm4b:s4+s14], $0x80, s19, s14, $0xb8;
	[tilespmem:$0x1F000] =	vst v63  }
0xc4: {  	_ =	swait.ge [sflag:s20], $0x5000  }
0xc5: {  	[sflag:s20] =	ssyncset.done $0x0  }
0xc6: {  	[sflag:s20] =	ssyncadd.s32 $0xFFFFB000  }
0xc7: {  	[spmem:s1] =	stream.indirect.scatter.add.f32 [tilespmem:s17], [sflag:$0x3], $0x80, s21, s14, $0xb8;
	[tilespmem:$0x1F000] =	vst v63  }
0xc8: {  	_ =	swait.ge [sflag:s12], $0x5000  }
0xc9: {  	[sflag:s12] =	ssyncset.done $0x0  }
0xca: {  	[sflag:s12] =	ssyncadd.s32 $0xFFFFB000  }
0xcb: {  	[tilespmem:s17], [sflag:$0x2] =	stream.indirect.gather [hbm4b:s4+s14], $0x80, s22, s14, $0xb8;
	[tilespmem:$0x1F000] =	vst v63  }
0xcc: {  	_ =	swait.ge [sflag:s18], $0x5000  }
0xcd: {  	[sflag:s18] =	ssyncset.done $0x0  }
0xce: {  	[sflag:s18] =	ssyncadd.s32 $0xFFFFB000  }
0xcf: {  	[spmem:s1] =	stream.indirect.scatter.add.f32 [tilespmem:s15], [sflag:$0x3], $0x80, s23, s14, $0xb8;
	[tilespmem:$0x1F000] =	vst v63  }
0xd0: {  	_ =	swait.ge [sflag:s12], $0x5000  }
0xd1: {  	[sflag:s12] =	ssyncset.done $0x0  }
0xd2: {  	[sflag:s12] =	ssyncadd.s32 $0xFFFFB000  }
0xd3: {  	[tilespmem:s15], [sflag:$0x1] =	stream.indirect.gather [hbm4b:s4+s14], $0x80, s24, s14, $0xb8;
	[tilespmem:$0x1F000] =	vst v63  }
0xd4: {  	_ =	swait.ge [sflag:s20], $0x5000  }
0xd5: {  	[sflag:s20] =	ssyncset.done $0x0  }
0xd6: {  	[sflag:s20] =	ssyncadd.s32 $0xFFFFB000  }
0xd7: {  	[spmem:s1] =	stream.indirect.scatter.add.f32 [tilespmem:s17], [sflag:$0x3], $0x80, s25, s14, $0xb8;
	[tilespmem:$0x1F000] =	vst v63  }
0xd8: {  	_ =	swait.ge [sflag:s12], $0x5000  }
0xd9: {  	[sflag:s12] =	ssyncset.done $0x0  }
0xda: {  	[sflag:s12] =	ssyncadd.s32 $0xFFFFB000  }
0xdb: {  	[tilespmem:s17], [sflag:$0x2] =	stream.indirect.gather [hbm4b:s4+s14], $0x80, s26, s14, $0xb8;
	[tilespmem:$0x1F000] =	vst v63  }
0xdc: {  	_ =	swait.ge [sflag:s18], $0x5000  }
0xdd: {  	[sflag:s18] =	ssyncset.done $0x0  }
0xde: {  	[sflag:s18] =	ssyncadd.s32 $0xFFFFB000  }
0xdf: {  	[spmem:s1] =	stream.indirect.scatter.add.f32 [tilespmem:s15], [sflag:$0x3], $0x80, s28, s14, $0xb8;
	[tilespmem:$0x1F000] =	vst v63  }
0xe0: {  	_ =	swait.ge [sflag:s12], $0x5000  }
0xe1: {  	[sflag:s12] =	ssyncset.done $0x0  }
0xe2: {  	[sflag:s12] =	ssyncadd.s32 $0xFFFFB000  }
0xe3: {  	[tilespmem:s15], [sflag:$0x1] =	stream.indirect.gather [hbm4b:s4+s14], $0x80, s29, s14, $0xb8;
	[tilespmem:$0x1F000] =	vst v63  }
0xe4: {  	_ =	swait.ge [sflag:s20], $0x5000  }
0xe5: {  	[sflag:s20] =	ssyncset.done $0x0  }
0xe6: {  	[sflag:s20] =	ssyncadd.s32 $0xFFFFB000  }
0xe7: {  	[spmem:s1] =	stream.indirect.scatter.add.f32 [tilespmem:s17], [sflag:$0x3], $0x80, s30, s14, $0xb8;
	[tilespmem:$0x1F000] =	vst v63  }
0xe8: {  	_ =	swait.ge [sflag:s12], $0x5000  }
0xe9: {  	[sflag:s12] =	ssyncset.done $0x0  }
0xea: {  	[sflag:s12] =	ssyncadd.s32 $0xFFFFB000  }
0xeb: {  	[tilespmem:s17], [sflag:$0x2] =	stream.indirect.gather [hbm4b:s4+s14], $0x80, s31, s14, $0xb8;
	[tilespmem:$0x1F000] =	vst v63  }
0xec: {  	_ =	swait.ge [sflag:s18], $0x5000  }
0xed: {  	[sflag:s18] =	ssyncset.done $0x0  }
0xee: {  	[sflag:s18] =	ssyncadd.s32 $0xFFFFB000  }
0xef: {  	[spmem:s1] =	stream.indirect.scatter.add.f32 [tilespmem:s15], [sflag:$0x3], $0x80, s0, s14, $0xb8;
	[tilespmem:$0x1F000] =	vst v63  }
0xf0: {  	_ =	swait.ge [sflag:s12], $0x5000  }
0xf1: {  	[sflag:s12] =	ssyncset.done $0x0  }
0xf2: {  	[sflag:s12] =	ssyncadd.s32 $0xFFFFB000  }
0xf3: {  	_ =	swait.ge [sflag:s20], $0x5000  }
0xf4: {  	[sflag:s20] =	ssyncset.done $0x0  }
0xf5: {  	[sflag:s20] =	ssyncadd.s32 $0xFFFFB000  }
0xf6: {  	[spmem:s1] =	stream.indirect.scatter.add.f32 [tilespmem:s17], [sflag:$0x3], $0x80, s2, s14, $0xb8;
	[tilespmem:$0x1F000] =	vst v63  }
0xf7: {  	_ =	swait.ge [sflag:s12], $0x5000  }
0xf8: {  	[sflag:s12] =	ssyncset.done $0x0  }
0xf9: {  	[sflag:s12] =	ssyncadd.s32 $0xFFFFB000  }
0xfa: {  	[bflag:$0x0] =	sbarrier.arrive $0xFFFF  }
0xfb: {  	s8 =	rddreg [dreg:$0x5]  }
0xfc: {  	s11 =	rddreg [dreg:$0x6]  }
0xfd: {  	s6 =	rddreg [dreg:$0x8]  }
0xfe: {  	[hbm:s11], [sflag:s8] =	dma.local [spmem:s6], $0x2800  }
0xff: {  	_ =	swait.ge [sflag:s12], $0x2800  }
0x100: {  	s5 =	rddreg [dreg:$0x9]  }
0x101: {  	s11 =	rddreg [dreg:$0x7];
	s7 =	sadd.s32 $0x1, s5  }
0x102: {  	p0 =	sne.s32 s7, s11  }
.Ltmp1:
0x103: {  	_ = 	snop;
	(pc) =	sbr.rel @p0 .LBB2_1-.Ltmp1, $3  }
0x104: {  	_ =	sdelay $0x1  }
0x105: {  	[sflag:s12] =	ssyncset.done $0x0  }
0x106: {  	[sflag:s12] =	ssyncadd.s32 $0xFFFFD800  }
0x107: {  	_ =	sfence.sel $0x180000  }
0x108: {  	[bflag:$0x0] =	sbarrier.arrive $0xFFFF  }
0x109: {  	_ =	strace $0x9000004A  }
0x10a: {  	s0 =	stileid.u32;
	[bflag:$0x2] =	sbarrier.arrive $0xFFFF  }
0x10b: {  	p0 =	sne.s32 s0, $0x0;
	s0 =	rddreg [dreg:$0x3]  }
0x10c: {  	s0 =	sadd.s32 @!p0 $0x100000, s0  }
0x10d: {  	[sflag:s0] =	ssyncadd.tile.s32 @!p0 $0x1;
	_ =	shalt  }
.Lfunc_end2:
_tile_overlayer_lowered:
.L_overlay_start_2:
0x10e: {  	(tag) =	ssettag $0x2  }
0x10f: {  	s0 =	rddreg [dreg:$0x0];
	s2 =	stileid.u32  }
0x110: {  	s1 =	rddreg [dreg:$0x1];
	p0 =	sne.s32 s2, $0x0  }
0x111: {  	s3 =	rddreg [dreg:$0x2];
	[bflag:$0x3] =	sbarrier.arrive $0xFFFF;
	s2 =	simm.s32 @!p0 $0x1C03  }
0x112: {  	[timem:s3], [sflag:s2] =	dma.local @!p0 [hbm:s0], s1  }
0x113: {  	s0 =	simm.s32 @!p0 $0x3  }
0x114: {  	_ =	swait.ge @!p0 [sflag:s0], s1  }
0x115: {  	s1 =	ssub.s32 @!p0 $0x0, s1;
	[sflag:s0] =	ssyncset.done @!p0 $0x0  }
0x116: {  	[sflag:s0] =	ssyncadd.s32 @!p0 s1  }
0x117: {  	[bflag:$0x3] =	sbarrier.arrive $0xFFFF  }
0x118: {  	_ =	shalt  }

// kernel: kernel.14.cloned.1.call-start
scs
__scs_entry_jumppad:
0x0: {  	(pc) =	sbr.rel $0x88, $3  }
0x1: {  	(tag) =	ssettag $0x0;
	lr =	simm.s32 $0x1  }
0x2: {  	[smem:$0x3F97] =	sst lr;
	_ =	strace $0xD0000000  }
0x3: {  	_ = 	snop  }
0x4: {  	_ = 	snop  }
0x5: {  	_ = 	snop  }
0x6: {  	_ = 	snop  }
0x7: {  	_ = 	snop  }
__scs_overlays_trampoline_lowered:
0x8: {  	[smem:$0x3FA6] =	sst s0  }
0x9: {  	[smem:$0x3FA7] =	sst s1  }
0xa: {  	[smem:$0x3FA8] =	sst s2  }
0xb: {  	[smem:$0x3FA9] =	sst s3  }
0xc: {  	[smem:$0x3FAA] =	sst s4  }
0xd: {  	[smem:$0x3FAB] =	sst s5  }
0xe: {  	[smem:$0x3FAC] =	sst s6  }
0xf: {  	[smem:$0x3FAD] =	sst s7  }
0x10: {  	[smem:$0x3FAE] =	sst s8  }
0x11: {  	[smem:$0x3FAF] =	sst s9;
	s0 =	simm.s32 @!p0 $0x0  }
0x12: {  	s1 =	sld [smem:$0x3F95];
	s0 =	simm.s32 @p0 $0x1  }
0x13: {  	[smem:$0x3FB0] =	sst s0;
	s0 =	simm.s32 @!p1 $0x0  }
0x14: {  	s2 =	sld [smem:$0x3F94];
	s0 =	simm.s32 @p1 $0x1  }
0x15: {  	[smem:$0x3FB1] =	sst s0;
	s0 =	simm.s32 @!p2 $0x0  }
0x16: {  	s3 =	sld [smem:$0x3FDB];
	s0 =	simm.s32 @p2 $0x1  }
0x17: {  	s4 =	simm.s32 $0x1BF5;
	[smem:$0x3FB3] =	sst s0  }
0x18: {  	s0 =	sld [smem:$0x3F96];
	_ =	swait.ge [sflag:s4], $0x0  }
0x19: {  	s7 =	sld [smem:$0x3F97]  }
0x1a: {  	s8 =	sadd.s32 $0xFFFFE003, lr  }
0x1b: {  	s9 =	sadd.s32 $0xFFFFFEF7, lr;
	s5 =	simm.s32 $0xFFFFFFFF;
	p2 =	slt.u32 s8, $0xFFFFF086  }
0x1c: {  	p1 =	slt.u32 s9, $0xF7A;
	s5 =	simm.s32 @!p2 $0x0  }
0x1d: {  	s5 =	simm.s32 @p1 $0x1;
	p0 =	seq.s32 s7, s2  }
0x1e: {  	s7 =	smul.u32 @!p0 $0xF7A, s2;
	p2 =	seq.s32 @!p0 s5, $0x0  }
0x1f: {  	s9 =	smul.u32 $0xF7A, s1;
	s8 =	simm.s32 @!p0 $0x1BF5;
	p2 =	por !p2, p0  }
0x20: {  	[sflag:s8] =	ssyncset.s32 @!p0 $0xFFFFF086;
	s6 =	sadd.s32 @!p0 s3, s7;
	s7 =	simm.s32 @!p0 $0x108  }
0x21: {  	s3 =	sadd.s32 s3, s9;
	s6 =	sadd.s32 @!p0 $0x88, s6;
	s7 =	simm.s32 @p2 $0x1082  }
0x22: {  	[simem:s7], [sflag:s8] =	dma.local @!p0 [hbm:s6], $0xF7A  }
0x23: {  	s9 =	sor.u32 $0xD0000000, s2;
	s6 =	simm.s32 $0x108;
	_ =	swait.ge @!p0 [sflag:s8], $0x0  }
0x24: {  	s3 =	sadd.s32 $0x88, s3;
	s6 =	simm.s32 @!p1 $0x1082;
	[sflag:s4] =	ssyncset.s32 $0xFFFFF086  }
0x25: {  	[simem:s6], [sflag:s4] =	dma.local [hbm:s3], $0xF7A  }
0x26: {  	[smem:$0x3F97] =	sst s1;
	(tag) =	ssettag s2;
	_ =	strace s9  }
0x27: {  	s1 =	sld [smem:$0x3FA7]  }
0x28: {  	s2 =	sld [smem:$0x3FA8]  }
0x29: {  	s4 =	sld [smem:$0x3FAA]  }
0x2a: {  	p0 =	seq.s32 s5, $0x0;
	s5 =	sld [smem:$0x3FAB]  }
0x2b: {  	s6 =	sld [smem:$0x3FAC]  }
0x2c: {  	s7 =	sld [smem:$0x3FAD]  }
0x2d: {  	s3 =	simm.s32 $0x108;
	s8 =	sld [smem:$0x3FAE]  }
0x2e: {  	s3 =	simm.s32 @!p0 $0x1082;
	s9 =	sld [smem:$0x3FAF]  }
0x2f: {  	lr =	sadd.s32 s0, s3;
	s0 =	sld [smem:$0x3FA6]  }
0x30: {  	s3 =	sld [smem:$0x3FA9]  }
0x31: {  	[smem:$0x3FB2] =	sst s10  }
0x32: {  	s10 =	sld [smem:$0x3FB0];
	_ =	sdelay $0x3  }
0x33: {  	p0 =	seq.s32 s10, $0x1;
	s10 =	sld [smem:$0x3FB2];
	_ =	sdelay $0x3  }
0x34: {  	[smem:$0x3FB2] =	sst s10  }
0x35: {  	s10 =	sld [smem:$0x3FB1];
	_ =	sdelay $0x3  }
0x36: {  	p1 =	seq.s32 s10, $0x1;
	s10 =	sld [smem:$0x3FB2];
	_ =	sdelay $0x3  }
0x37: {  	[smem:$0x3FB2] =	sst s10  }
0x38: {  	s10 =	sld [smem:$0x3FB3]  }
0x39: {  	_ = 	snop;
	(pc) =	sbr.ind lr, $3  }
0x3a: {  	_ = 	snop  }
0x3b: {  	_ = 	snop  }
0x3c: {  	p2 =	seq.s32 s10, $0x1;
	s10 =	sld [smem:$0x3FB2]  }
0x3d: {  	_ =	shalt  }
0x3e: {  	_ =	shalt  }
0x3f: {  	_ =	shalt  }
0x40: {  	_ =	shalt  }
0x41: {  	_ =	shalt  }
0x42: {  	_ =	shalt  }
0x43: {  	_ =	shalt  }
0x44: {  	_ =	shalt  }
0x45: {  	_ =	shalt  }
0x46: {  	_ =	shalt  }
0x47: {  	_ =	shalt  }
0x48: {  	_ =	shalt  }
0x49: {  	_ =	shalt  }
0x4a: {  	_ =	shalt  }
0x4b: {  	_ =	shalt  }
0x4c: {  	_ =	shalt  }
0x4d: {  	_ =	shalt  }
0x4e: {  	_ =	shalt  }
0x4f: {  	_ =	shalt  }
0x50: {  	_ =	shalt  }
0x51: {  	_ =	shalt  }
0x52: {  	_ =	shalt  }
0x53: {  	_ =	shalt  }
0x54: {  	_ =	shalt  }
0x55: {  	_ =	shalt  }
0x56: {  	_ =	shalt  }
0x57: {  	_ =	shalt  }
0x58: {  	_ =	shalt  }
0x59: {  	_ =	shalt  }
0x5a: {  	_ =	shalt  }
0x5b: {  	_ =	shalt  }
0x5c: {  	_ =	shalt  }
0x5d: {  	_ =	shalt  }
0x5e: {  	_ =	shalt  }
0x5f: {  	_ =	shalt  }
0x60: {  	_ =	shalt  }
0x61: {  	_ =	shalt  }
0x62: {  	_ =	shalt  }
0x63: {  	_ =	shalt  }
0x64: {  	_ =	shalt  }
0x65: {  	_ =	shalt  }
0x66: {  	_ =	shalt  }
0x67: {  	_ =	shalt  }
0x68: {  	_ =	shalt  }
0x69: {  	_ =	shalt  }
0x6a: {  	_ =	shalt  }
0x6b: {  	_ =	shalt  }
0x6c: {  	_ =	shalt  }
0x6d: {  	_ =	shalt  }
0x6e: {  	_ =	shalt  }
0x6f: {  	_ =	shalt  }
0x70: {  	_ =	shalt  }
0x71: {  	_ =	shalt  }
0x72: {  	_ =	shalt  }
0x73: {  	_ =	shalt  }
0x74: {  	_ =	shalt  }
0x75: {  	_ =	shalt  }
0x76: {  	_ =	shalt  }
0x77: {  	_ =	shalt  }
0x78: {  	_ =	shalt  }
0x79: {  	_ =	shalt  }
0x7a: {  	_ =	shalt  }
0x7b: {  	_ =	shalt  }
0x7c: {  	_ =	shalt  }
0x7d: {  	_ =	shalt  }
0x7e: {  	_ =	shalt  }
0x7f: {  	_ =	shalt  }
0x80: {  	_ =	shalt  }
0x81: {  	_ =	shalt  }
0x82: {  	_ =	shalt  }
0x83: {  	_ =	shalt  }
0x84: {  	_ =	shalt  }
0x85: {  	_ =	shalt  }
0x86: {  	_ =	shalt  }
0x87: {  	_ =	shalt  }
.Lfunc_end0:
.L_simem_size_0:
called_computation.2_lowered:
.L_overlay_start_0:
0x88: {  	s2 =	sld [smem:$0x3FD9]  }
0x89: {  	s3 =	sld [smem:$0x3FFE];
	_ =	sdelay $0x1  }
0x8a: {  	s1 =	srdreg.scid  }
0x8b: {  	s0 =	sand.u32 $0x1, s1  }
0x8c: {  	s16 =	sshll.u32 s0, $0xA;
	s2 =	sadd.s32 s3, s2  }
0x8d: {  	s2 =	sadd.s32 s2, s16  }
0x8e: {  	[smem:$0x3FBE] =	sst s2  }
0x8f: {  	_ = 	snop  }
0x90: {  	(tm) =	ssettm $0x1  }
0x91: {  	s17 =	sld [smem:$0x3FFB];
	_ =	sdelay $0x3  }
0x92: {  	_ =	strace s17  }
0x93: {  	s2 =	sld [smem:$0x3FFC];
	_ =	sdelay $0x3  }
0x94: {  	_ =	strace s2  }
0x95: {  	s2 =	sld [smem:$0x3FFD];
	_ =	sdelay $0x3  }
0x96: {  	_ =	strace s2  }
0x97: {  	_ =	strace $0x8FFFFFFF  }
0x98: {  	s18 =	sld [smem:$0x3FDB];
	_ =	sdelay $0x1  }
0x99: {  	s19 =	simm.s32 $_scs_section_size  }
0x9a: {  	s4 =	simm.s32 $_size__tile_overlayer_lowered;
	s5 =	simm.s32 $_tile_overlayer_lowered  }
0x9b: {  	s22 =	simm.s32 $0x1BFF;
	s21 =	sshll.u32 s5, $0x1;
	s2 =	sadd.s32 s19, s18  }
0x9c: {  	s6 =	simm.s32 $0x0;
	s20 =	sshll.u32 s4, $0x1;
	s4 =	sadd.s32 s21, s2  }
0x9d: {  	[timem:s6], [sflag:s22] =	dma.local [hbm:s4], s20  }
0x9e: {  	_ =	swait.ge [sflag:s22], s20  }
0x9f: {  	s3 =	ssub.s32 $0x0, s20;
	[sflag:s22] =	ssyncset.done $0x0  }
0xa0: {  	[sflag:s22] =	ssyncadd.s32 s3;
	_ =	sdelay $0x1  }
0xa1: {  	s23 =	simm.s32 $0x1B8B  }
0xa2: {  	_ =	swait.ge [sflag:s23], $0x1  }
0xa3: {  	[sflag:s23] =	ssyncset.done $0x0  }
0xa4: {  	s25 =	simm.s32 $0x1B8E;
	s24 =	sld [smem:$0x3FFE];
	[sflag:s23] =	ssyncadd.s32 $0xFFFFFFFF  }
0xa5: {  	s26 =	simm.s32 $execute0_lowered;
	[smem:$0x3FD2] =	sst s25  }
0xa6: {  	s4 =	sshll.u32 s26, $0x1;
	_ =	strace $0x8000004C;
	[dreg:$0x1] =	wrdreg $0xFFFFFFFF  }
0xa7: {  	s28 =	simm.s32 $_size_execute0_lowered;
	s2 =	sadd.s32 s2, s4;
	[dreg:$0x0] =	wrdreg $0x0  }
0xa8: {  	s4 =	sshll.u32 s28, $0x1;
	[dreg:$0x2] =	wrdreg s2  }
0xa9: {  	[dreg:$0x3] =	wrdreg s4  }
0xaa: {  	[dreg:$0x4] =	wrdreg $0xC0  }
0xab: {  	_ =	task [dreg:s6], $0x5FFFF  }
0xac: {  	[dreg:$0x1] =	wrdreg $0xFFFFFFFF  }
0xad: {  	[dreg:$0x0] =	wrdreg $0x60  }
0xae: {  	[dreg:$0x2] =	wrdreg s24  }
0xaf: {  	[dreg:$0x3] =	wrdreg $0xB0000  }
0xb0: {  	[dreg:$0x4] =	wrdreg $0x9  }
0xb1: {  	_ =	task.clear_ibuf [dreg:s6], $0x5FFFF;
	_ =	strace $0x9000004C  }
0xb2: {  	s29 =	simm.s32 $0x9;
	_ =	strace $0x8000004E  }
0xb3: {  	_ =	swait.ge [sflag:s29], $0x1  }
0xb4: {  	[sflag:s29] =	ssyncadd.s32 $0xFFFFFFFF  }
0xb5: {  	_ =	strace $0x9000004E  }
0xb6: {  	_ =	sfence  }
0xb7: {  	s30 =	sld [smem:$0x0];
	_ =	sdelay $0x2  }
0xb8: {  	s31 =	sshll.u32 s1, $0xD;
	s1 =	sshrl.u32 s1, $0x2  }
0xb9: {  	s3 =	sand.u32 $0x4000, s31;
	s1 =	sadd.s32 s1, s30  }
0xba: {  	s0 =	sor.u32 s3, s0;
	s1 =	sshll.u32 s1, $0x11  }
0xbb: {  	s0 =	sor.u32 s1, s0  }
0xbc: {  	s0 =	sadd.s32 $0x8F2B, s0  }
0xbd: {  	[sflag:s0] =	ssyncadd.remote.s32 $0x1  }
0xbe: {  	_ =	sfence.sel $0xFFFF  }
0xbf: {  	[dreg:$0x0] =	wrdreg $0xFFFFFFFF;
	(pc) =	sbr.abs _section_cstart, $3  }
0xc0: {  	[dreg:$0x1] =	wrdreg $0xFFFFFFFF  }
0xc1: {  	_ =	task.clear_ibuf [dreg:s6], $0x2FFFF;
	_ =	strace $0x9FFFFFFF  }
0xc2: {  	(tm) =	ssettm $0x7FFFFFFF  }
0xc3: {  	_ =	shalt  }
tec
execute0_lowered:
.L_overlay_start_1:
0x0: {  	(tag) =	ssettag $0x1  }
0x1: {  	s0 =	rddreg [dreg:$0x0]  }
0x2: {  	s1 =	rddreg [dreg:$0x1]  }
0x3: {  	s2 =	srdreg.scid;
	s3 =	simm.s32 $0x0;
	s9 =	stileid.u32  }
0x4: {  	s12 =	simm.s32 $0x3;
	s13 =	simm.s32 $0x800;
	s14 =	simm.s32 $0xA0  }
0x5: {  	s15 =	simm.s32 $0x1000;
	s16 =	simm.s32 $0x100;
	s17 =	simm.s32 $0x6000  }
0x6: {  	s18 =	simm.s32 $0x1;
	s19 =	simm.s32 $0x200;
	s20 =	simm.s32 $0x2  }
0x7: {  	s28 =	simm.s32 $0xC00;
	s29 =	simm.s32 $0x600;
	s30 =	simm.s32 $0xD00  }
0x8: {  	s31 =	simm.s32 $0x700;
	s2 =	sand.u32 $0x1, s2;
	s6 =	smul.u32 $0x14000, s9  }
0x9: {  	[smem:$0x7FF] =	sst s3;
	s4 =	sadd.s32 $0xFA00, s0;
	s8 =	smul.u32 $0x50000, s9  }
0xa: {  	s10 =	sadd.s32 $0xD200, s0;
	s23 =	sshll.u32 s9, $0x6;
	s24 =	sshll.u32 s9, $0xB  }
0xb: {  	s5 =	smul.u32 $0x140000, s2;
	_ =	strace $0x8000004D;
	s7 =	sshll.u32 s2, $0xF  }
0xc: {  	s2 =	ssub.s32 $0x2, s2;
	[dreg:$0x3] =	wrdreg s10;
	s11 =	sor.u32 $0x1C03, s23  }
0xd: {  	s23 =	simm.s32 $0xA00;
	s7 =	sadd.s32 s7, s0;
	s21 =	sshrl.u32 s2, $0x1  }
0xe: {  	s22 =	sshrl.u32 s8, $0x2;
	[dreg:$0x4] =	wrdreg s11;
	s5 =	sadd.s32 s6, s5  }
0xf: {  	s2 =	ssub.s32 s2, s21;
	s25 =	sadd.s32 s24, s7;
	s21 =	simm.s32 $0x900  }
0x10: {  	s24 =	simm.s32 $0x400;
	s7 =	simm.s32 $0x0;
	s5 =	sshrl.u32 s5, $0x3  }
0x11: {  	s26 =	smax.u32 s2, $0x1;
	s9 =	sadd.s32 $0xCFA00, s25;
	s10 =	sadd.s32 $0xDFA00, s25  }
0x12: {  	s25 =	simm.s32 $0xB00;
	s2 =	simm.s32 $0xF00;
	s0 =	sadd.s32 s5, s0  }
0x13: {  	s5 =	sadd.s32 s22, s1;
	[dreg:$0x6] =	wrdreg s26;
	s0 =	sadd.s32 $0x37A00, s0  }
0x14: {  	s22 =	simm.s32 $0x300;
	s6 =	sshrl.u32 s5, $0x3;
	[dreg:$0x5] =	wrdreg s0  }
0x15: {  	s26 =	simm.s32 $0x500;
	s0 =	simm.s32 $0xE00;
	[dreg:$0x7] =	wrdreg s6  }
.LBB2_1:
0x16: {  	[dreg:$0x8] =	wrdreg s7  }
0x17: {  	s5 =	rddreg [dreg:$0x3]  }
0x18: {  	[spmem:s6], [sflag:s11] =	dma.local [hbm:s5], $0x2800  }
0x19: {  	_ =	swait.ge [sflag:s12], $0x2800  }
0x1a: {  	[sflag:s12] =	ssyncset.done $0x0  }
0x1b: {  	[sflag:s12] =	ssyncadd.s32 $0xFFFFD800  }
0x1c: {  	s8 =	sadd.s32 $0x0, s10;
	[bflag:$0x0] =	sbarrier.arrive $0xFFFF  }
0x1d: {  	[tilespmem:s3], [sflag:$0x3] =	stream.linear.gather [hbm4b:s8+s3], $0x800, $0x38;
	[tilespmem:$0x1F000] =	vst v63  }
0x1e: {  	_ =	swait.ge [sflag:s12], $0x800  }
0x1f: {  	[sflag:s12] =	ssyncset.done $0x0  }
0x20: {  	s11 =	sadd.s32 $0x0, s9;
	[sflag:s12] =	ssyncadd.s32 $0xFFFFF800  }
0x21: {  	[tilespmem:s13], [sflag:$0x3] =	stream.linear.gather [hbm4b:s11+s3], $0x800, $0x38;
	[tilespmem:$0x1F000] =	vst v63  }
0x22: {  	_ =	swait.ge [sflag:s12], $0x800  }
0x23: {  	[sflag:s12] =	ssyncset.done $0x0  }
0x24: {  	[sflag:s12] =	ssyncadd.s32 $0xFFFFF800  }
0x25: {  	[tilespmem:s15], [sflag:$0x1] =	stream.indirect.gather [hbm4b:s4+s14], $0x80, s3, s14, $0xb8;
	[tilespmem:$0x1F000] =	vst v63  }
0x26: {  	_ = 	snop  }
0x27: {  	[tilespmem:s17], [sflag:$0x2] =	stream.indirect.gather [hbm4b:s4+s14], $0x80, s16, s14, $0xb8;
	[tilespmem:$0x1F000] =	vst v63  }
0x28: {  	_ =	swait.ge [sflag:s18], $0x5000  }
0x29: {  	[sflag:s18] =	ssyncset.done $0x0  }
0x2a: {  	[sflag:s18] =	ssyncadd.s32 $0xFFFFB000  }
0x2b: {  	[spmem:s1] =	stream.indirect.scatter.add.f32 [tilespmem:s15], [sflag:$0x3], $0x80, s13, s14, $0xb8;
	[tilespmem:$0x1F000] =	vst v63  }
0x2c: {  	_ =	swait.ge [sflag:s12], $0x5000  }
0x2d: {  	[sflag:s12] =	ssyncset.done $0x0  }
0x2e: {  	[sflag:s12] =	ssyncadd.s32 $0xFFFFB000  }
0x2f: {  	[tilespmem:s15], [sflag:$0x1] =	stream.indirect.gather [hbm4b:s4+s14], $0x80, s19, s14, $0xb8;
	[tilespmem:$0x1F000] =	vst v63  }
0x30: {  	_ =	swait.ge [sflag:s20], $0x5000  }
0x31: {  	[sflag:s20] =	ssyncset.done $0x0  }
0x32: {  	[sflag:s20] =	ssyncadd.s32 $0xFFFFB000  }
0x33: {  	[spmem:s1] =	stream.indirect.scatter.add.f32 [tilespmem:s17], [sflag:$0x3], $0x80, s21, s14, $0xb8;
	[tilespmem:$0x1F000] =	vst v63  }
0x34: {  	_ =	swait.ge [sflag:s12], $0x5000  }
0x35: {  	[sflag:s12] =	ssyncset.done $0x0  }
0x36: {  	[sflag:s12] =	ssyncadd.s32 $0xFFFFB000  }
0x37: {  	[tilespmem:s17], [sflag:$0x2] =	stream.indirect.gather [hbm4b:s4+s14], $0x80, s22, s14, $0xb8;
	[tilespmem:$0x1F000] =	vst v63  }
0x38: {  	_ =	swait.ge [sflag:s18], $0x5000  }
0x39: {  	[sflag:s18] =	ssyncset.done $0x0  }
0x3a: {  	[sflag:s18] =	ssyncadd.s32 $0xFFFFB000  }
0x3b: {  	[spmem:s1] =	stream.indirect.scatter.add.f32 [tilespmem:s15], [sflag:$0x3], $0x80, s23, s14, $0xb8;
	[tilespmem:$0x1F000] =	vst v63  }
0x3c: {  	_ =	swait.ge [sflag:s12], $0x5000  }
0x3d: {  	[sflag:s12] =	ssyncset.done $0x0  }
0x3e: {  	[sflag:s12] =	ssyncadd.s32 $0xFFFFB000  }
0x3f: {  	[tilespmem:s15], [sflag:$0x1] =	stream.indirect.gather [hbm4b:s4+s14], $0x80, s24, s14, $0xb8;
	[tilespmem:$0x1F000] =	vst v63  }
0x40: {  	_ =	swait.ge [sflag:s20], $0x5000  }
0x41: {  	[sflag:s20] =	ssyncset.done $0x0  }
0x42: {  	[sflag:s20] =	ssyncadd.s32 $0xFFFFB000  }
0x43: {  	[spmem:s1] =	stream.indirect.scatter.add.f32 [tilespmem:s17], [sflag:$0x3], $0x80, s25, s14, $0xb8;
	[tilespmem:$0x1F000] =	vst v63  }
0x44: {  	_ =	swait.ge [sflag:s12], $0x5000  }
0x45: {  	[sflag:s12] =	ssyncset.done $0x0  }
0x46: {  	[sflag:s12] =	ssyncadd.s32 $0xFFFFB000  }
0x47: {  	[tilespmem:s17], [sflag:$0x2] =	stream.indirect.gather [hbm4b:s4+s14], $0x80, s26, s14, $0xb8;
	[tilespmem:$0x1F000] =	vst v63  }
0x48: {  	_ =	swait.ge [sflag:s18], $0x5000  }
0x49: {  	[sflag:s18] =	ssyncset.done $0x0  }
0x4a: {  	[sflag:s18] =	ssyncadd.s32 $0xFFFFB000  }
0x4b: {  	[spmem:s1] =	stream.indirect.scatter.add.f32 [tilespmem:s15], [sflag:$0x3], $0x80, s28, s14, $0xb8;
	[tilespmem:$0x1F000] =	vst v63  }
0x4c: {  	_ =	swait.ge [sflag:s12], $0x5000  }
0x4d: {  	[sflag:s12] =	ssyncset.done $0x0  }
0x4e: {  	[sflag:s12] =	ssyncadd.s32 $0xFFFFB000  }
0x4f: {  	[tilespmem:s15], [sflag:$0x1] =	stream.indirect.gather [hbm4b:s4+s14], $0x80, s29, s14, $0xb8;
	[tilespmem:$0x1F000] =	vst v63  }
0x50: {  	_ =	swait.ge [sflag:s20], $0x5000  }
0x51: {  	[sflag:s20] =	ssyncset.done $0x0  }
0x52: {  	[sflag:s20] =	ssyncadd.s32 $0xFFFFB000  }
0x53: {  	[spmem:s1] =	stream.indirect.scatter.add.f32 [tilespmem:s17], [sflag:$0x3], $0x80, s30, s14, $0xb8;
	[tilespmem:$0x1F000] =	vst v63  }
0x54: {  	_ =	swait.ge [sflag:s12], $0x5000  }
0x55: {  	[sflag:s12] =	ssyncset.done $0x0  }
0x56: {  	[sflag:s12] =	ssyncadd.s32 $0xFFFFB000  }
0x57: {  	[tilespmem:s17], [sflag:$0x2] =	stream.indirect.gather [hbm4b:s4+s14], $0x80, s31, s14, $0xb8;
	[tilespmem:$0x1F000] =	vst v63  }
0x58: {  	_ =	swait.ge [sflag:s18], $0x5000  }
0x59: {  	[sflag:s18] =	ssyncset.done $0x0  }
0x5a: {  	[sflag:s18] =	ssyncadd.s32 $0xFFFFB000  }
0x5b: {  	[spmem:s1] =	stream.indirect.scatter.add.f32 [tilespmem:s15], [sflag:$0x3], $0x80, s0, s14, $0xb8;
	[tilespmem:$0x1F000] =	vst v63  }
0x5c: {  	_ =	swait.ge [sflag:s12], $0x5000  }
0x5d: {  	[sflag:s12] =	ssyncset.done $0x0  }
0x5e: {  	[sflag:s12] =	ssyncadd.s32 $0xFFFFB000  }
0x5f: {  	_ =	swait.ge [sflag:s20], $0x5000  }
0x60: {  	[sflag:s20] =	ssyncset.done $0x0  }
0x61: {  	[sflag:s20] =	ssyncadd.s32 $0xFFFFB000  }
0x62: {  	[spmem:s1] =	stream.indirect.scatter.add.f32 [tilespmem:s17], [sflag:$0x3], $0x80, s2, s14, $0xb8;
	[tilespmem:$0x1F000] =	vst v63  }
0x63: {  	_ =	swait.ge [sflag:s12], $0x5000  }
0x64: {  	s7 =	simm.s32 $0x100;
	s8 =	simm.s32 $0x200;
	[sflag:s12] =	ssyncset.done $0x0  }
.LBB2_2:
0x65: {  	s11 =	sadd.s32 s7, s10  }
0x66: {  	[sflag:s12] =	ssyncadd.s32 $0xFFFFB000;
	s5 =	smov.u32 s8;
	s6 =	sadd.s32 $0x100, s8  }
0x67: {  	[tilespmem:s3], [sflag:$0x3] =	stream.linear.gather [hbm4b:s11+s3], $0x800, $0x38;
	[tilespmem:$0x1F000] =	vst v63  }
0x68: {  	p0 =	sne.s32 s8, $0x700;
	_ =	swait.ge [sflag:s12], $0x800  }
0x69: {  	[sflag:s12] =	ssyncset.done $0x0  }
0x6a: {  	s8 =	sadd.s32 s7, s9;
	s7 =	smov.u32 s5;
	[sflag:s12] =	ssyncadd.s32 $0xFFFFF800  }
0x6b: {  	[tilespmem:s13], [sflag:$0x3] =	stream.linear.gather [hbm4b:s8+s3], $0x800, $0x38;
	[tilespmem:$0x1F000] =	vst v63  }
0x6c: {  	_ =	swait.ge [sflag:s12], $0x800  }
0x6d: {  	[sflag:s12] =	ssyncset.done $0x0  }
0x6e: {  	[sflag:s12] =	ssyncadd.s32 $0xFFFFF800  }
0x6f: {  	[tilespmem:s15], [sflag:$0x1] =	stream.indirect.gather [hbm4b:s4+s14], $0x80, s3, s14, $0xb8;
	[tilespmem:$0x1F000] =	vst v63  }
0x70: {  	_ = 	snop  }
0x71: {  	[tilespmem:s17], [sflag:$0x2] =	stream.indirect.gather [hbm4b:s4+s14], $0x80, s16, s14, $0xb8;
	[tilespmem:$0x1F000] =	vst v63  }
0x72: {  	_ =	swait.ge [sflag:s18], $0x5000  }
0x73: {  	[sflag:s18] =	ssyncset.done $0x0  }
0x74: {  	[sflag:s18] =	ssyncadd.s32 $0xFFFFB000  }
0x75: {  	[spmem:s1] =	stream.indirect.scatter.add.f32 [tilespmem:s15], [sflag:$0x3], $0x80, s13, s14, $0xb8;
	[tilespmem:$0x1F000] =	vst v63  }
0x76: {  	_ =	swait.ge [sflag:s12], $0x5000  }
0x77: {  	[sflag:s12] =	ssyncset.done $0x0  }
0x78: {  	[sflag:s12] =	ssyncadd.s32 $0xFFFFB000  }
0x79: {  	[tilespmem:s15], [sflag:$0x1] =	stream.indirect.gather [hbm4b:s4+s14], $0x80, s19, s14, $0xb8;
	[tilespmem:$0x1F000] =	vst v63  }
0x7a: {  	_ =	swait.ge [sflag:s20], $0x5000  }
0x7b: {  	[sflag:s20] =	ssyncset.done $0x0  }
0x7c: {  	[sflag:s20] =	ssyncadd.s32 $0xFFFFB000  }
0x7d: {  	[spmem:s1] =	stream.indirect.scatter.add.f32 [tilespmem:s17], [sflag:$0x3], $0x80, s21, s14, $0xb8;
	[tilespmem:$0x1F000] =	vst v63  }
0x7e: {  	_ =	swait.ge [sflag:s12], $0x5000  }
0x7f: {  	[sflag:s12] =	ssyncset.done $0x0  }
0x80: {  	[sflag:s12] =	ssyncadd.s32 $0xFFFFB000  }
0x81: {  	[tilespmem:s17], [sflag:$0x2] =	stream.indirect.gather [hbm4b:s4+s14], $0x80, s22, s14, $0xb8;
	[tilespmem:$0x1F000] =	vst v63  }
0x82: {  	_ =	swait.ge [sflag:s18], $0x5000  }
0x83: {  	[sflag:s18] =	ssyncset.done $0x0  }
0x84: {  	[sflag:s18] =	ssyncadd.s32 $0xFFFFB000  }
0x85: {  	[spmem:s1] =	stream.indirect.scatter.add.f32 [tilespmem:s15], [sflag:$0x3], $0x80, s23, s14, $0xb8;
	[tilespmem:$0x1F000] =	vst v63  }
0x86: {  	_ =	swait.ge [sflag:s12], $0x5000  }
0x87: {  	[sflag:s12] =	ssyncset.done $0x0  }
0x88: {  	[sflag:s12] =	ssyncadd.s32 $0xFFFFB000  }
0x89: {  	[tilespmem:s15], [sflag:$0x1] =	stream.indirect.gather [hbm4b:s4+s14], $0x80, s24, s14, $0xb8;
	[tilespmem:$0x1F000] =	vst v63  }
0x8a: {  	_ =	swait.ge [sflag:s20], $0x5000  }
0x8b: {  	[sflag:s20] =	ssyncset.done $0x0  }
0x8c: {  	[sflag:s20] =	ssyncadd.s32 $0xFFFFB000  }
0x8d: {  	[spmem:s1] =	stream.indirect.scatter.add.f32 [tilespmem:s17], [sflag:$0x3], $0x80, s25, s14, $0xb8;
	[tilespmem:$0x1F000] =	vst v63  }
0x8e: {  	_ =	swait.ge [sflag:s12], $0x5000  }
0x8f: {  	[sflag:s12] =	ssyncset.done $0x0  }
0x90: {  	[sflag:s12] =	ssyncadd.s32 $0xFFFFB000  }
0x91: {  	[tilespmem:s17], [sflag:$0x2] =	stream.indirect.gather [hbm4b:s4+s14], $0x80, s26, s14, $0xb8;
	[tilespmem:$0x1F000] =	vst v63  }
0x92: {  	_ =	swait.ge [sflag:s18], $0x5000  }
0x93: {  	[sflag:s18] =	ssyncset.done $0x0  }
0x94: {  	[sflag:s18] =	ssyncadd.s32 $0xFFFFB000  }
0x95: {  	[spmem:s1] =	stream.indirect.scatter.add.f32 [tilespmem:s15], [sflag:$0x3], $0x80, s28, s14, $0xb8;
	[tilespmem:$0x1F000] =	vst v63  }
0x96: {  	_ =	swait.ge [sflag:s12], $0x5000  }
0x97: {  	[sflag:s12] =	ssyncset.done $0x0  }
0x98: {  	[sflag:s12] =	ssyncadd.s32 $0xFFFFB000  }
0x99: {  	[tilespmem:s15], [sflag:$0x1] =	stream.indirect.gather [hbm4b:s4+s14], $0x80, s29, s14, $0xb8;
	[tilespmem:$0x1F000] =	vst v63  }
0x9a: {  	_ =	swait.ge [sflag:s20], $0x5000  }
0x9b: {  	[sflag:s20] =	ssyncset.done $0x0  }
0x9c: {  	[sflag:s20] =	ssyncadd.s32 $0xFFFFB000  }
0x9d: {  	[spmem:s1] =	stream.indirect.scatter.add.f32 [tilespmem:s17], [sflag:$0x3], $0x80, s30, s14, $0xb8;
	[tilespmem:$0x1F000] =	vst v63  }
0x9e: {  	_ =	swait.ge [sflag:s12], $0x5000  }
0x9f: {  	[sflag:s12] =	ssyncset.done $0x0  }
0xa0: {  	[sflag:s12] =	ssyncadd.s32 $0xFFFFB000  }
0xa1: {  	[tilespmem:s17], [sflag:$0x2] =	stream.indirect.gather [hbm4b:s4+s14], $0x80, s31, s14, $0xb8;
	[tilespmem:$0x1F000] =	vst v63  }
0xa2: {  	_ =	swait.ge [sflag:s18], $0x5000  }
0xa3: {  	[sflag:s18] =	ssyncset.done $0x0  }
0xa4: {  	[sflag:s18] =	ssyncadd.s32 $0xFFFFB000  }
0xa5: {  	[spmem:s1] =	stream.indirect.scatter.add.f32 [tilespmem:s15], [sflag:$0x3], $0x80, s0, s14, $0xb8;
	[tilespmem:$0x1F000] =	vst v63  }
0xa6: {  	_ =	swait.ge [sflag:s12], $0x5000  }
0xa7: {  	[sflag:s12] =	ssyncset.done $0x0  }
0xa8: {  	[sflag:s12] =	ssyncadd.s32 $0xFFFFB000  }
0xa9: {  	_ =	swait.ge [sflag:s20], $0x5000  }
.Ltmp0:
0xaa: {  	[sflag:s20] =	ssyncset.done $0x0;
	(pc) =	sbr.rel @p0 .LBB2_2-.Ltmp0, $4  }
0xab: {  	[sflag:s20] =	ssyncadd.s32 $0xFFFFB000  }
0xac: {  	[spmem:s1] =	stream.indirect.scatter.add.f32 [tilespmem:s17], [sflag:$0x3], $0x80, s2, s14, $0xb8;
	[tilespmem:$0x1F000] =	vst v63  }
0xad: {  	_ =	swait.ge [sflag:s12], $0x5000  }
0xae: {  	s8 =	smov.u32 s6;
	[sflag:s12] =	ssyncset.done $0x0  }
0xaf: {  	s5 =	sadd.s32 s7, s10;
	[sflag:s12] =	ssyncadd.s32 $0xFFFFB000  }
0xb0: {  	[tilespmem:s3], [sflag:$0x3] =	stream.linear.gather [hbm4b:s5+s3], $0x800, $0x38;
	[tilespmem:$0x1F000] =	vst v63  }
0xb1: {  	_ =	swait.ge [sflag:s12], $0x800  }
0xb2: {  	[sflag:s12] =	ssyncset.done $0x0  }
0xb3: {  	s7 =	sadd.s32 s7, s9;
	[sflag:s12] =	ssyncadd.s32 $0xFFFFF800  }
0xb4: {  	[tilespmem:s13], [sflag:$0x3] =	stream.linear.gather [hbm4b:s7+s3], $0x800, $0x38;
	[tilespmem:$0x1F000] =	vst v63  }
0xb5: {  	_ =	swait.ge [sflag:s12], $0x800  }
0xb6: {  	[sflag:s12] =	ssyncset.done $0x0  }
0xb7: {  	[sflag:s12] =	ssyncadd.s32 $0xFFFFF800  }
0xb8: {  	[tilespmem:s15], [sflag:$0x1] =	stream.indirect.gather [hbm4b:s4+s14], $0x80, s3, s14, $0xb8;
	[tilespmem:$0x1F000] =	vst v63  }
0xb9: {  	_ = 	snop  }
0xba: {  	[tilespmem:s17], [sflag:$0x2] =	stream.indirect.gather [hbm4b:s4+s14], $0x80, s16, s14, $0xb8;
	[tilespmem:$0x1F000] =	vst v63  }
0xbb: {  	_ =	swait.ge [sflag:s18], $0x5000  }
0xbc: {  	[sflag:s18] =	ssyncset.done $0x0  }
0xbd: {  	[sflag:s18] =	ssyncadd.s32 $0xFFFFB000  }
0xbe: {  	[spmem:s1] =	stream.indirect.scatter.add.f32 [tilespmem:s15], [sflag:$0x3], $0x80, s13, s14, $0xb8;
	[tilespmem:$0x1F000] =	vst v63  }
0xbf: {  	_ =	swait.ge [sflag:s12], $0x5000  }
0xc0: {  	[sflag:s12] =	ssyncset.done $0x0  }
0xc1: {  	[sflag:s12] =	ssyncadd.s32 $0xFFFFB000  }
0xc2: {  	[tilespmem:s15], [sflag:$0x1] =	stream.indirect.gather [hbm4b:s4+s14], $0x80, s19, s14, $0xb8;
	[tilespmem:$0x1F000] =	vst v63  }
0xc3: {  	_ =	swait.ge [sflag:s20], $0x5000  }
0xc4: {  	[sflag:s20] =	ssyncset.done $0x0  }
0xc5: {  	[sflag:s20] =	ssyncadd.s32 $0xFFFFB000  }
0xc6: {  	[spmem:s1] =	stream.indirect.scatter.add.f32 [tilespmem:s17], [sflag:$0x3], $0x80, s21, s14, $0xb8;
	[tilespmem:$0x1F000] =	vst v63  }
0xc7: {  	_ =	swait.ge [sflag:s12], $0x5000  }
0xc8: {  	[sflag:s12] =	ssyncset.done $0x0  }
0xc9: {  	[sflag:s12] =	ssyncadd.s32 $0xFFFFB000  }
0xca: {  	[tilespmem:s17], [sflag:$0x2] =	stream.indirect.gather [hbm4b:s4+s14], $0x80, s22, s14, $0xb8;
	[tilespmem:$0x1F000] =	vst v63  }
0xcb: {  	_ =	swait.ge [sflag:s18], $0x5000  }
0xcc: {  	[sflag:s18] =	ssyncset.done $0x0  }
0xcd: {  	[sflag:s18] =	ssyncadd.s32 $0xFFFFB000  }
0xce: {  	[spmem:s1] =	stream.indirect.scatter.add.f32 [tilespmem:s15], [sflag:$0x3], $0x80, s23, s14, $0xb8;
	[tilespmem:$0x1F000] =	vst v63  }
0xcf: {  	_ =	swait.ge [sflag:s12], $0x5000  }
0xd0: {  	[sflag:s12] =	ssyncset.done $0x0  }
0xd1: {  	[sflag:s12] =	ssyncadd.s32 $0xFFFFB000  }
0xd2: {  	[tilespmem:s15], [sflag:$0x1] =	stream.indirect.gather [hbm4b:s4+s14], $0x80, s24, s14, $0xb8;
	[tilespmem:$0x1F000] =	vst v63  }
0xd3: {  	_ =	swait.ge [sflag:s20], $0x5000  }
0xd4: {  	[sflag:s20] =	ssyncset.done $0x0  }
0xd5: {  	[sflag:s20] =	ssyncadd.s32 $0xFFFFB000  }
0xd6: {  	[spmem:s1] =	stream.indirect.scatter.add.f32 [tilespmem:s17], [sflag:$0x3], $0x80, s25, s14, $0xb8;
	[tilespmem:$0x1F000] =	vst v63  }
0xd7: {  	_ =	swait.ge [sflag:s12], $0x5000  }
0xd8: {  	[sflag:s12] =	ssyncset.done $0x0  }
0xd9: {  	[sflag:s12] =	ssyncadd.s32 $0xFFFFB000  }
0xda: {  	[tilespmem:s17], [sflag:$0x2] =	stream.indirect.gather [hbm4b:s4+s14], $0x80, s26, s14, $0xb8;
	[tilespmem:$0x1F000] =	vst v63  }
0xdb: {  	_ =	swait.ge [sflag:s18], $0x5000  }
0xdc: {  	[sflag:s18] =	ssyncset.done $0x0  }
0xdd: {  	[sflag:s18] =	ssyncadd.s32 $0xFFFFB000  }
0xde: {  	[spmem:s1] =	stream.indirect.scatter.add.f32 [tilespmem:s15], [sflag:$0x3], $0x80, s28, s14, $0xb8;
	[tilespmem:$0x1F000] =	vst v63  }
0xdf: {  	_ =	swait.ge [sflag:s12], $0x5000  }
0xe0: {  	[sflag:s12] =	ssyncset.done $0x0  }
0xe1: {  	[sflag:s12] =	ssyncadd.s32 $0xFFFFB000  }
0xe2: {  	[tilespmem:s15], [sflag:$0x1] =	stream.indirect.gather [hbm4b:s4+s14], $0x80, s29, s14, $0xb8;
	[tilespmem:$0x1F000] =	vst v63  }
0xe3: {  	_ =	swait.ge [sflag:s20], $0x5000  }
0xe4: {  	[sflag:s20] =	ssyncset.done $0x0  }
0xe5: {  	[sflag:s20] =	ssyncadd.s32 $0xFFFFB000  }
0xe6: {  	[spmem:s1] =	stream.indirect.scatter.add.f32 [tilespmem:s17], [sflag:$0x3], $0x80, s30, s14, $0xb8;
	[tilespmem:$0x1F000] =	vst v63  }
0xe7: {  	_ =	swait.ge [sflag:s12], $0x5000  }
0xe8: {  	[sflag:s12] =	ssyncset.done $0x0  }
0xe9: {  	[sflag:s12] =	ssyncadd.s32 $0xFFFFB000  }
0xea: {  	[tilespmem:s17], [sflag:$0x2] =	stream.indirect.gather [hbm4b:s4+s14], $0x80, s31, s14, $0xb8;
	[tilespmem:$0x1F000] =	vst v63  }
0xeb: {  	_ =	swait.ge [sflag:s18], $0x5000  }
0xec: {  	[sflag:s18] =	ssyncset.done $0x0  }
0xed: {  	[sflag:s18] =	ssyncadd.s32 $0xFFFFB000  }
0xee: {  	[spmem:s1] =	stream.indirect.scatter.add.f32 [tilespmem:s15], [sflag:$0x3], $0x80, s0, s14, $0xb8;
	[tilespmem:$0x1F000] =	vst v63  }
0xef: {  	_ =	swait.ge [sflag:s12], $0x5000  }
0xf0: {  	[sflag:s12] =	ssyncset.done $0x0  }
0xf1: {  	[sflag:s12] =	ssyncadd.s32 $0xFFFFB000  }
0xf2: {  	_ =	swait.ge [sflag:s20], $0x5000  }
0xf3: {  	[sflag:s20] =	ssyncset.done $0x0  }
0xf4: {  	[sflag:s20] =	ssyncadd.s32 $0xFFFFB000  }
0xf5: {  	[spmem:s1] =	stream.indirect.scatter.add.f32 [tilespmem:s17], [sflag:$0x3], $0x80, s2, s14, $0xb8;
	[tilespmem:$0x1F000] =	vst v63  }
0xf6: {  	_ =	swait.ge [sflag:s12], $0x5000  }
0xf7: {  	[sflag:s12] =	ssyncset.done $0x0  }
0xf8: {  	[sflag:s12] =	ssyncadd.s32 $0xFFFFB000  }
0xf9: {  	[bflag:$0x0] =	sbarrier.arrive $0xFFFF  }
0xfa: {  	s11 =	rddreg [dreg:$0x4]  }
0xfb: {  	s8 =	rddreg [dreg:$0x5]  }
0xfc: {  	s6 =	rddreg [dreg:$0x7]  }
0xfd: {  	[hbm:s8], [sflag:s11] =	dma.local [spmem:s6], $0x2800  }
0xfe: {  	_ =	swait.ge [sflag:s12], $0x2800  }
0xff: {  	s5 =	rddreg [dreg:$0x8]  }
0x100: {  	s8 =	rddreg [dreg:$0x6];
	s7 =	sadd.s32 $0x1, s5  }
0x101: {  	p0 =	sne.s32 s7, s8  }
.Ltmp1:
0x102: {  	_ = 	snop;
	(pc) =	sbr.rel @p0 .LBB2_1-.Ltmp1, $3  }
0x103: {  	_ =	sdelay $0x1  }
0x104: {  	[sflag:s12] =	ssyncset.done $0x0  }
0x105: {  	[sflag:s12] =	ssyncadd.s32 $0xFFFFD800  }
0x106: {  	_ =	sfence.sel $0x180000  }
0x107: {  	[bflag:$0x0] =	sbarrier.arrive $0xFFFF  }
0x108: {  	_ =	strace $0x9000004D  }
0x109: {  	s0 =	stileid.u32;
	[bflag:$0x2] =	sbarrier.arrive $0xFFFF  }
0x10a: {  	p0 =	sne.s32 s0, $0x0;
	s0 =	rddreg [dreg:$0x2]  }
0x10b: {  	s0 =	sadd.s32 @!p0 $0x100000, s0  }
0x10c: {  	[sflag:s0] =	ssyncadd.tile.s32 @!p0 $0x1;
	_ =	shalt  }
.Lfunc_end2:
_tile_overlayer_lowered:
.L_overlay_start_2:
0x10d: {  	(tag) =	ssettag $0x2  }
0x10e: {  	s0 =	rddreg [dreg:$0x0];
	s2 =	stileid.u32  }
0x10f: {  	s1 =	rddreg [dreg:$0x1];
	p0 =	sne.s32 s2, $0x0  }
0x110: {  	s3 =	rddreg [dreg:$0x2];
	[bflag:$0x3] =	sbarrier.arrive $0xFFFF;
	s2 =	simm.s32 @!p0 $0x1C03  }
0x111: {  	[timem:s3], [sflag:s2] =	dma.local @!p0 [hbm:s0], s1  }
0x112: {  	s0 =	simm.s32 @!p0 $0x3  }
0x113: {  	_ =	swait.ge @!p0 [sflag:s0], s1  }
0x114: {  	s1 =	ssub.s32 @!p0 $0x0, s1;
	[sflag:s0] =	ssyncset.done @!p0 $0x0  }
0x115: {  	[sflag:s0] =	ssyncadd.s32 @!p0 s1  }
0x116: {  	[bflag:$0x3] =	sbarrier.arrive $0xFFFF  }
0x117: {  	_ =	shalt  }

// kernel: kernel.8.cloned.1.call-start
scs
__scs_entry_jumppad:
0x0: {  	(pc) =	sbr.rel $0x88, $3  }
0x1: {  	(tag) =	ssettag $0x0;
	lr =	simm.s32 $0x1  }
0x2: {  	[smem:$0x3F97] =	sst lr;
	_ =	strace $0xD0000000  }
0x3: {  	_ = 	snop  }
0x4: {  	_ = 	snop  }
0x5: {  	_ = 	snop  }
0x6: {  	_ = 	snop  }
0x7: {  	_ = 	snop  }
__scs_overlays_trampoline_lowered:
0x8: {  	[smem:$0x3FA6] =	sst s0  }
0x9: {  	[smem:$0x3FA7] =	sst s1  }
0xa: {  	[smem:$0x3FA8] =	sst s2  }
0xb: {  	[smem:$0x3FA9] =	sst s3  }
0xc: {  	[smem:$0x3FAA] =	sst s4  }
0xd: {  	[smem:$0x3FAB] =	sst s5  }
0xe: {  	[smem:$0x3FAC] =	sst s6  }
0xf: {  	[smem:$0x3FAD] =	sst s7  }
0x10: {  	[smem:$0x3FAE] =	sst s8  }
0x11: {  	[smem:$0x3FAF] =	sst s9;
	s0 =	simm.s32 @!p0 $0x0  }
0x12: {  	s1 =	sld [smem:$0x3F95];
	s0 =	simm.s32 @p0 $0x1  }
0x13: {  	[smem:$0x3FB0] =	sst s0;
	s0 =	simm.s32 @!p1 $0x0  }
0x14: {  	s2 =	sld [smem:$0x3F94];
	s0 =	simm.s32 @p1 $0x1  }
0x15: {  	[smem:$0x3FB1] =	sst s0;
	s0 =	simm.s32 @!p2 $0x0  }
0x16: {  	s3 =	sld [smem:$0x3FDB];
	s0 =	simm.s32 @p2 $0x1  }
0x17: {  	s4 =	simm.s32 $0x1BF5;
	[smem:$0x3FB3] =	sst s0  }
0x18: {  	s0 =	sld [smem:$0x3F96];
	_ =	swait.ge [sflag:s4], $0x0  }
0x19: {  	s7 =	sld [smem:$0x3F97]  }
0x1a: {  	s8 =	sadd.s32 $0xFFFFE003, lr  }
0x1b: {  	s9 =	sadd.s32 $0xFFFFFEF7, lr;
	s5 =	simm.s32 $0xFFFFFFFF;
	p2 =	slt.u32 s8, $0xFFFFF086  }
0x1c: {  	p1 =	slt.u32 s9, $0xF7A;
	s5 =	simm.s32 @!p2 $0x0  }
0x1d: {  	s5 =	simm.s32 @p1 $0x1;
	p0 =	seq.s32 s7, s2  }
0x1e: {  	s7 =	smul.u32 @!p0 $0xF7A, s2;
	p2 =	seq.s32 @!p0 s5, $0x0  }
0x1f: {  	s9 =	smul.u32 $0xF7A, s1;
	s8 =	simm.s32 @!p0 $0x1BF5;
	p2 =	por !p2, p0  }
0x20: {  	[sflag:s8] =	ssyncset.s32 @!p0 $0xFFFFF086;
	s6 =	sadd.s32 @!p0 s3, s7;
	s7 =	simm.s32 @!p0 $0x108  }
0x21: {  	s3 =	sadd.s32 s3, s9;
	s6 =	sadd.s32 @!p0 $0x88, s6;
	s7 =	simm.s32 @p2 $0x1082  }
0x22: {  	[simem:s7], [sflag:s8] =	dma.local @!p0 [hbm:s6], $0xF7A  }
0x23: {  	s9 =	sor.u32 $0xD0000000, s2;
	s6 =	simm.s32 $0x108;
	_ =	swait.ge @!p0 [sflag:s8], $0x0  }
0x24: {  	s3 =	sadd.s32 $0x88, s3;
	s6 =	simm.s32 @!p1 $0x1082;
	[sflag:s4] =	ssyncset.s32 $0xFFFFF086  }
0x25: {  	[simem:s6], [sflag:s4] =	dma.local [hbm:s3], $0xF7A  }
0x26: {  	[smem:$0x3F97] =	sst s1;
	(tag) =	ssettag s2;
	_ =	strace s9  }
0x27: {  	s1 =	sld [smem:$0x3FA7]  }
0x28: {  	s2 =	sld [smem:$0x3FA8]  }
0x29: {  	s4 =	sld [smem:$0x3FAA]  }
0x2a: {  	p0 =	seq.s32 s5, $0x0;
	s5 =	sld [smem:$0x3FAB]  }
0x2b: {  	s6 =	sld [smem:$0x3FAC]  }
0x2c: {  	s7 =	sld [smem:$0x3FAD]  }
0x2d: {  	s3 =	simm.s32 $0x108;
	s8 =	sld [smem:$0x3FAE]  }
0x2e: {  	s3 =	simm.s32 @!p0 $0x1082;
	s9 =	sld [smem:$0x3FAF]  }
0x2f: {  	lr =	sadd.s32 s0, s3;
	s0 =	sld [smem:$0x3FA6]  }
0x30: {  	s3 =	sld [smem:$0x3FA9]  }
0x31: {  	[smem:$0x3FB2] =	sst s10  }
0x32: {  	s10 =	sld [smem:$0x3FB0];
	_ =	sdelay $0x3  }
0x33: {  	p0 =	seq.s32 s10, $0x1;
	s10 =	sld [smem:$0x3FB2];
	_ =	sdelay $0x3  }
0x34: {  	[smem:$0x3FB2] =	sst s10  }
0x35: {  	s10 =	sld [smem:$0x3FB1];
	_ =	sdelay $0x3  }
0x36: {  	p1 =	seq.s32 s10, $0x1;
	s10 =	sld [smem:$0x3FB2];
	_ =	sdelay $0x3  }
0x37: {  	[smem:$0x3FB2] =	sst s10  }
0x38: {  	s10 =	sld [smem:$0x3FB3]  }
0x39: {  	_ = 	snop;
	(pc) =	sbr.ind lr, $3  }
0x3a: {  	_ = 	snop  }
0x3b: {  	_ = 	snop  }
0x3c: {  	p2 =	seq.s32 s10, $0x1;
	s10 =	sld [smem:$0x3FB2]  }
0x3d: {  	_ =	shalt  }
0x3e: {  	_ =	shalt  }
0x3f: {  	_ =	shalt  }
0x40: {  	_ =	shalt  }
0x41: {  	_ =	shalt  }
0x42: {  	_ =	shalt  }
0x43: {  	_ =	shalt  }
0x44: {  	_ =	shalt  }
0x45: {  	_ =	shalt  }
0x46: {  	_ =	shalt  }
0x47: {  	_ =	shalt  }
0x48: {  	_ =	shalt  }
0x49: {  	_ =	shalt  }
0x4a: {  	_ =	shalt  }
0x4b: {  	_ =	shalt  }
0x4c: {  	_ =	shalt  }
0x4d: {  	_ =	shalt  }
0x4e: {  	_ =	shalt  }
0x4f: {  	_ =	shalt  }
0x50: {  	_ =	shalt  }
0x51: {  	_ =	shalt  }
0x52: {  	_ =	shalt  }
0x53: {  	_ =	shalt  }
0x54: {  	_ =	shalt  }
0x55: {  	_ =	shalt  }
0x56: {  	_ =	shalt  }
0x57: {  	_ =	shalt  }
0x58: {  	_ =	shalt  }
0x59: {  	_ =	shalt  }
0x5a: {  	_ =	shalt  }
0x5b: {  	_ =	shalt  }
0x5c: {  	_ =	shalt  }
0x5d: {  	_ =	shalt  }
0x5e: {  	_ =	shalt  }
0x5f: {  	_ =	shalt  }
0x60: {  	_ =	shalt  }
0x61: {  	_ =	shalt  }
0x62: {  	_ =	shalt  }
0x63: {  	_ =	shalt  }
0x64: {  	_ =	shalt  }
0x65: {  	_ =	shalt  }
0x66: {  	_ =	shalt  }
0x67: {  	_ =	shalt  }
0x68: {  	_ =	shalt  }
0x69: {  	_ =	shalt  }
0x6a: {  	_ =	shalt  }
0x6b: {  	_ =	shalt  }
0x6c: {  	_ =	shalt  }
0x6d: {  	_ =	shalt  }
0x6e: {  	_ =	shalt  }
0x6f: {  	_ =	shalt  }
0x70: {  	_ =	shalt  }
0x71: {  	_ =	shalt  }
0x72: {  	_ =	shalt  }
0x73: {  	_ =	shalt  }
0x74: {  	_ =	shalt  }
0x75: {  	_ =	shalt  }
0x76: {  	_ =	shalt  }
0x77: {  	_ =	shalt  }
0x78: {  	_ =	shalt  }
0x79: {  	_ =	shalt  }
0x7a: {  	_ =	shalt  }
0x7b: {  	_ =	shalt  }
0x7c: {  	_ =	shalt  }
0x7d: {  	_ =	shalt  }
0x7e: {  	_ =	shalt  }
0x7f: {  	_ =	shalt  }
0x80: {  	_ =	shalt  }
0x81: {  	_ =	shalt  }
0x82: {  	_ =	shalt  }
0x83: {  	_ =	shalt  }
0x84: {  	_ =	shalt  }
0x85: {  	_ =	shalt  }
0x86: {  	_ =	shalt  }
0x87: {  	_ =	shalt  }
.Lfunc_end0:
.L_simem_size_0:
called_computation_lowered:
.L_overlay_start_0:
0x88: {  	s2 =	sld [smem:$0x3FD9]  }
0x89: {  	s3 =	sld [smem:$0x3FFE];
	_ =	sdelay $0x1  }
0x8a: {  	s1 =	srdreg.scid  }
0x8b: {  	s0 =	sand.u32 $0x1, s1  }
0x8c: {  	s16 =	sshll.u32 s0, $0xA;
	s2 =	sadd.s32 s3, s2  }
0x8d: {  	s2 =	sadd.s32 s2, s16  }
0x8e: {  	[smem:$0x3FBE] =	sst s2  }
0x8f: {  	_ = 	snop  }
0x90: {  	(tm) =	ssettm $0x1  }
0x91: {  	s17 =	sld [smem:$0x3FFB];
	_ =	sdelay $0x3  }
0x92: {  	_ =	strace s17  }
0x93: {  	s2 =	sld [smem:$0x3FFC];
	_ =	sdelay $0x3  }
0x94: {  	_ =	strace s2  }
0x95: {  	s2 =	sld [smem:$0x3FFD];
	_ =	sdelay $0x3  }
0x96: {  	_ =	strace s2  }
0x97: {  	_ =	strace $0x8FFFFFFF  }
0x98: {  	s18 =	sld [smem:$0x3FDB];
	_ =	sdelay $0x1  }
0x99: {  	s19 =	simm.s32 $_scs_section_size  }
0x9a: {  	s4 =	simm.s32 $_size__tile_overlayer_lowered;
	s5 =	simm.s32 $_tile_overlayer_lowered  }
0x9b: {  	s22 =	simm.s32 $0x1BFF;
	s21 =	sshll.u32 s5, $0x1;
	s2 =	sadd.s32 s19, s18  }
0x9c: {  	s6 =	simm.s32 $0x0;
	s20 =	sshll.u32 s4, $0x1;
	s4 =	sadd.s32 s21, s2  }
0x9d: {  	[timem:s6], [sflag:s22] =	dma.local [hbm:s4], s20  }
0x9e: {  	_ =	swait.ge [sflag:s22], s20  }
0x9f: {  	s3 =	ssub.s32 $0x0, s20;
	[sflag:s22] =	ssyncset.done $0x0  }
0xa0: {  	[sflag:s22] =	ssyncadd.s32 s3;
	_ =	sdelay $0x1  }
0xa1: {  	s23 =	simm.s32 $0x1B8B  }
0xa2: {  	_ =	swait.ge [sflag:s23], $0x1  }
0xa3: {  	[sflag:s23] =	ssyncset.done $0x0  }
0xa4: {  	s25 =	simm.s32 $0x1B8E;
	s24 =	sld [smem:$0x3FFE];
	[sflag:s23] =	ssyncadd.s32 $0xFFFFFFFF  }
0xa5: {  	s26 =	simm.s32 $execute0_lowered;
	[smem:$0x3FD2] =	sst s25  }
0xa6: {  	s4 =	sshll.u32 s26, $0x1;
	_ =	strace $0x80000046;
	[dreg:$0x1] =	wrdreg $0xFFFFFFFF  }
0xa7: {  	s28 =	simm.s32 $_size_execute0_lowered;
	s2 =	sadd.s32 s2, s4;
	[dreg:$0x0] =	wrdreg $0x0  }
0xa8: {  	s4 =	sshll.u32 s28, $0x1;
	[dreg:$0x2] =	wrdreg s2  }
0xa9: {  	[dreg:$0x3] =	wrdreg s4  }
0xaa: {  	[dreg:$0x4] =	wrdreg $0xC0  }
0xab: {  	_ =	task [dreg:s6], $0x5FFFF  }
0xac: {  	[dreg:$0x1] =	wrdreg $0xFFFFFFFF  }
0xad: {  	[dreg:$0x0] =	wrdreg $0x60  }
0xae: {  	[dreg:$0x2] =	wrdreg s24  }
0xaf: {  	[dreg:$0x3] =	wrdreg $0x44000  }
0xb0: {  	[dreg:$0x4] =	wrdreg $0x9  }
0xb1: {  	_ =	task.clear_ibuf [dreg:s6], $0x5FFFF;
	_ =	strace $0x90000046  }
0xb2: {  	s29 =	simm.s32 $0x9;
	_ =	strace $0x80000048  }
0xb3: {  	_ =	swait.ge [sflag:s29], $0x1  }
0xb4: {  	[sflag:s29] =	ssyncadd.s32 $0xFFFFFFFF  }
0xb5: {  	_ =	strace $0x90000048  }
0xb6: {  	_ =	sfence  }
0xb7: {  	s30 =	sld [smem:$0x0];
	_ =	sdelay $0x2  }
0xb8: {  	s31 =	sshll.u32 s1, $0xD;
	s1 =	sshrl.u32 s1, $0x2  }
0xb9: {  	s3 =	sand.u32 $0x4000, s31;
	s1 =	sadd.s32 s1, s30  }
0xba: {  	s0 =	sor.u32 s3, s0;
	s1 =	sshll.u32 s1, $0x11  }
0xbb: {  	s0 =	sor.u32 s1, s0  }
0xbc: {  	s0 =	sadd.s32 $0x8F2B, s0  }
0xbd: {  	[sflag:s0] =	ssyncadd.remote.s32 $0x1  }
0xbe: {  	_ =	sfence.sel $0xFFFF  }
0xbf: {  	[dreg:$0x0] =	wrdreg $0xFFFFFFFF;
	(pc) =	sbr.abs _section_cstart, $3  }
0xc0: {  	[dreg:$0x1] =	wrdreg $0xFFFFFFFF  }
0xc1: {  	_ =	task.clear_ibuf [dreg:s6], $0x2FFFF;
	_ =	strace $0x9FFFFFFF  }
0xc2: {  	(tm) =	ssettm $0x7FFFFFFF  }
0xc3: {  	_ =	shalt  }
tec
execute0_lowered:
.L_overlay_start_1:
0x0: {  	(tag) =	ssettag $0x1  }
0x1: {  	s6 =	rddreg [dreg:$0x0]  }
0x2: {  	s2 =	rddreg [dreg:$0x1]  }
0x3: {  	s0 =	srdreg.scid;
	s1 =	rddreg [dreg:$0x2]  }
0x4: {  	s3 =	simm.s32 $0x0;
	s13 =	simm.s32 $0x80;
	s14 =	simm.s32 $0x100  }
0x5: {  	s15 =	simm.s32 $0x180;
	s16 =	simm.s32 $0x200;
	s7 =	sand.u32 $0x1, s0  }
0x6: {  	s17 =	simm.s32 $0x280;
	s0 =	stileid.u32;
	s4 =	smul.u32 $0x28000, s7  }
0x7: {  	s18 =	simm.s32 $0x300;
	s19 =	simm.s32 $0x380;
	s5 =	smul.u32 $0x2800, s0  }
0x8: {  	s20 =	simm.s32 $0x0;
	[smem:$0x7FF] =	sst s3;
	s8 =	smul.u32 $0x140000, s7  }
0x9: {  	s9 =	smul.u32 $0x14000, s0;
	_ =	strace $0x80000047;
	s7 =	ssub.s32 $0x2, s7  }
0xa: {  	s29 =	smul.u32 $0x50000, s0;
	s31 =	sshll.u32 s0, $0x6;
	s30 =	sshrl.u32 s7, $0x1  }
0xb: {  	s5 =	sadd.s32 s5, s4;
	s4 =	sadd.s32 $0xFA00, s6;
	s8 =	sadd.s32 s9, s8  }
0xc: {  	s9 =	sshrl.u32 s29, $0x2;
	s11 =	ssub.s32 s7, s30;
	s5 =	sshrl.u32 s5, $0x3  }
0xd: {  	s8 =	sshrl.u32 s8, $0x3;
	s12 =	sadd.s32 s9, s2;
	s10 =	sadd.s32 s5, s6  }
0xe: {  	s5 =	sadd.s32 $0xD200, s6;
	s8 =	sadd.s32 s8, s6;
	s6 =	sor.u32 $0x1C01, s31  }
0xf: {  	s7 =	sadd.s32 $0x10200, s8;
	s8 =	smax.u32 s11, $0x1;
	s9 =	sadd.s32 $0x3200, s10  }
0x10: {  	s10 =	sshrl.u32 s12, $0x3;
	s11 =	simm.s32 $0x1;
	s12 =	simm.s32 $0x400  }
.LBB2_1:
0x11: {  	[spmem:s10], [sflag:s6] =	dma.local [hbm:s5], $0x2800  }
0x12: {  	_ =	swait.ge [sflag:s11], $0x2800  }
0x13: {  	[sflag:s11] =	ssyncset.done $0x0  }
0x14: {  	[sflag:s11] =	ssyncadd.s32 $0xFFFFD800  }
0x15: {  	[tilespmem:s12], [sflag:$0x1] =	stream.linear.gather [hbm4b:s4+s3], $0x4000, $0x38;
	[tilespmem:$0x18400] =	vst v63  }
0x16: {  	_ =	swait.ge [sflag:s11], $0x4000  }
0x17: {  	[sflag:s11] =	ssyncset.done $0x0  }
0x18: {  	[sflag:s11] =	ssyncadd.s32 $0xFFFFC000  }
0x19: {  	s21 =	sadd.s32 $0x0, s9;
	[bflag:$0x0] =	sbarrier.arrive $0xFFFF  }
0x1a: {  	[tilespmem:s3], [sflag:$0x1] =	stream.linear.gather [hbm4b:s21+s3], $0x400, $0x38;
	[tilespmem:$0x18400] =	vst v63  }
0x1b: {  	_ =	swait.ge [sflag:s11], $0x400  }
0x1c: {  	[sflag:s11] =	ssyncset.done $0x0  }
0x1d: {  	[sflag:s11] =	ssyncadd.s32 $0xFFFFFC00  }
0x1e: {  	[spmem:s2] =	stream.indirect.scatter.add.f32 [tilespmem:s12], [sflag:$0x1], $0x80, s3, s13, $0xb8;
	[tilespmem:$0x18400] =	vst v63  }
0x1f: {  	_ =	swait.ge [sflag:s11], $0x4000  }
0x20: {  	[sflag:s11] =	ssyncset.done $0x0  }
0x21: {  	[sflag:s11] =	ssyncadd.s32 $0xFFFFC000  }
0x22: {  	[spmem:s2] =	stream.indirect.scatter.add.f32 [tilespmem:s12], [sflag:$0x1], $0x80, s13, s13, $0xb8;
	[tilespmem:$0x18400] =	vst v63  }
0x23: {  	_ =	swait.ge [sflag:s11], $0x4000  }
0x24: {  	[sflag:s11] =	ssyncset.done $0x0  }
0x25: {  	[sflag:s11] =	ssyncadd.s32 $0xFFFFC000  }
0x26: {  	[spmem:s2] =	stream.indirect.scatter.add.f32 [tilespmem:s12], [sflag:$0x1], $0x80, s14, s13, $0xb8;
	[tilespmem:$0x18400] =	vst v63  }
0x27: {  	_ =	swait.ge [sflag:s11], $0x4000  }
0x28: {  	[sflag:s11] =	ssyncset.done $0x0  }
0x29: {  	[sflag:s11] =	ssyncadd.s32 $0xFFFFC000  }
0x2a: {  	[spmem:s2] =	stream.indirect.scatter.add.f32 [tilespmem:s12], [sflag:$0x1], $0x80, s15, s13, $0xb8;
	[tilespmem:$0x18400] =	vst v63  }
0x2b: {  	_ =	swait.ge [sflag:s11], $0x4000  }
0x2c: {  	[sflag:s11] =	ssyncset.done $0x0  }
0x2d: {  	[sflag:s11] =	ssyncadd.s32 $0xFFFFC000  }
0x2e: {  	[spmem:s2] =	stream.indirect.scatter.add.f32 [tilespmem:s12], [sflag:$0x1], $0x80, s16, s13, $0xb8;
	[tilespmem:$0x18400] =	vst v63  }
0x2f: {  	_ =	swait.ge [sflag:s11], $0x4000  }
0x30: {  	[sflag:s11] =	ssyncset.done $0x0  }
0x31: {  	[sflag:s11] =	ssyncadd.s32 $0xFFFFC000  }
0x32: {  	[spmem:s2] =	stream.indirect.scatter.add.f32 [tilespmem:s12], [sflag:$0x1], $0x80, s17, s13, $0xb8;
	[tilespmem:$0x18400] =	vst v63  }
0x33: {  	_ =	swait.ge [sflag:s11], $0x4000  }
0x34: {  	[sflag:s11] =	ssyncset.done $0x0  }
0x35: {  	[sflag:s11] =	ssyncadd.s32 $0xFFFFC000  }
0x36: {  	[spmem:s2] =	stream.indirect.scatter.add.f32 [tilespmem:s12], [sflag:$0x1], $0x80, s18, s13, $0xb8;
	[tilespmem:$0x18400] =	vst v63  }
0x37: {  	_ =	swait.ge [sflag:s11], $0x4000  }
0x38: {  	[sflag:s11] =	ssyncset.done $0x0  }
0x39: {  	[sflag:s11] =	ssyncadd.s32 $0xFFFFC000  }
0x3a: {  	[spmem:s2] =	stream.indirect.scatter.add.f32 [tilespmem:s12], [sflag:$0x1], $0x80, s19, s13, $0xb8;
	[tilespmem:$0x18400] =	vst v63  }
0x3b: {  	_ =	swait.ge [sflag:s11], $0x4000  }
0x3c: {  	s23 =	simm.s32 $0x100;
	s21 =	simm.s32 $0x80;
	[sflag:s11] =	ssyncset.done $0x0  }
.LBB2_2:
0x3d: {  	s24 =	sadd.s32 s21, s9  }
0x3e: {  	[sflag:s11] =	ssyncadd.s32 $0xFFFFC000;
	s21 =	smov.u32 s23;
	s22 =	sadd.s32 $0x80, s23  }
0x3f: {  	[tilespmem:s3], [sflag:$0x1] =	stream.linear.gather [hbm4b:s24+s3], $0x400, $0x38;
	[tilespmem:$0x18400] =	vst v63  }
0x40: {  	p0 =	sne.s32 s23, $0x480;
	_ =	swait.ge [sflag:s11], $0x400  }
0x41: {  	[sflag:s11] =	ssyncset.done $0x0  }
0x42: {  	[sflag:s11] =	ssyncadd.s32 $0xFFFFFC00  }
0x43: {  	[spmem:s2] =	stream.indirect.scatter.add.f32 [tilespmem:s12], [sflag:$0x1], $0x80, s3, s13, $0xb8;
	[tilespmem:$0x18400] =	vst v63  }
0x44: {  	_ =	swait.ge [sflag:s11], $0x4000  }
0x45: {  	[sflag:s11] =	ssyncset.done $0x0  }
0x46: {  	[sflag:s11] =	ssyncadd.s32 $0xFFFFC000  }
0x47: {  	[spmem:s2] =	stream.indirect.scatter.add.f32 [tilespmem:s12], [sflag:$0x1], $0x80, s13, s13, $0xb8;
	[tilespmem:$0x18400] =	vst v63  }
0x48: {  	_ =	swait.ge [sflag:s11], $0x4000  }
0x49: {  	[sflag:s11] =	ssyncset.done $0x0  }
0x4a: {  	[sflag:s11] =	ssyncadd.s32 $0xFFFFC000  }
0x4b: {  	[spmem:s2] =	stream.indirect.scatter.add.f32 [tilespmem:s12], [sflag:$0x1], $0x80, s14, s13, $0xb8;
	[tilespmem:$0x18400] =	vst v63  }
0x4c: {  	_ =	swait.ge [sflag:s11], $0x4000  }
0x4d: {  	[sflag:s11] =	ssyncset.done $0x0  }
0x4e: {  	[sflag:s11] =	ssyncadd.s32 $0xFFFFC000  }
0x4f: {  	[spmem:s2] =	stream.indirect.scatter.add.f32 [tilespmem:s12], [sflag:$0x1], $0x80, s15, s13, $0xb8;
	[tilespmem:$0x18400] =	vst v63  }
0x50: {  	_ =	swait.ge [sflag:s11], $0x4000  }
0x51: {  	[sflag:s11] =	ssyncset.done $0x0  }
0x52: {  	[sflag:s11] =	ssyncadd.s32 $0xFFFFC000  }
0x53: {  	[spmem:s2] =	stream.indirect.scatter.add.f32 [tilespmem:s12], [sflag:$0x1], $0x80, s16, s13, $0xb8;
	[tilespmem:$0x18400] =	vst v63  }
0x54: {  	_ =	swait.ge [sflag:s11], $0x4000  }
0x55: {  	[sflag:s11] =	ssyncset.done $0x0  }
0x56: {  	[sflag:s11] =	ssyncadd.s32 $0xFFFFC000  }
0x57: {  	[spmem:s2] =	stream.indirect.scatter.add.f32 [tilespmem:s12], [sflag:$0x1], $0x80, s17, s13, $0xb8;
	[tilespmem:$0x18400] =	vst v63  }
0x58: {  	_ =	swait.ge [sflag:s11], $0x4000  }
0x59: {  	[sflag:s11] =	ssyncset.done $0x0  }
0x5a: {  	[sflag:s11] =	ssyncadd.s32 $0xFFFFC000  }
0x5b: {  	[spmem:s2] =	stream.indirect.scatter.add.f32 [tilespmem:s12], [sflag:$0x1], $0x80, s18, s13, $0xb8;
	[tilespmem:$0x18400] =	vst v63  }
0x5c: {  	_ =	swait.ge [sflag:s11], $0x4000  }
.Ltmp0:
0x5d: {  	[sflag:s11] =	ssyncset.done $0x0;
	(pc) =	sbr.rel @p0 .LBB2_2-.Ltmp0, $4  }
0x5e: {  	[sflag:s11] =	ssyncadd.s32 $0xFFFFC000  }
0x5f: {  	[spmem:s2] =	stream.indirect.scatter.add.f32 [tilespmem:s12], [sflag:$0x1], $0x80, s19, s13, $0xb8;
	[tilespmem:$0x18400] =	vst v63  }
0x60: {  	_ =	swait.ge [sflag:s11], $0x4000  }
0x61: {  	s23 =	smov.u32 s22;
	[sflag:s11] =	ssyncset.done $0x0  }
0x62: {  	s21 =	sadd.s32 s21, s9;
	[sflag:s11] =	ssyncadd.s32 $0xFFFFC000  }
0x63: {  	[tilespmem:s3], [sflag:$0x1] =	stream.linear.gather [hbm4b:s21+s3], $0x400, $0x38;
	[tilespmem:$0x18400] =	vst v63  }
0x64: {  	_ =	swait.ge [sflag:s11], $0x400  }
0x65: {  	[sflag:s11] =	ssyncset.done $0x0  }
0x66: {  	[sflag:s11] =	ssyncadd.s32 $0xFFFFFC00  }
0x67: {  	[spmem:s2] =	stream.indirect.scatter.add.f32 [tilespmem:s12], [sflag:$0x1], $0x80, s3, s13, $0xb8;
	[tilespmem:$0x18400] =	vst v63  }
0x68: {  	_ =	swait.ge [sflag:s11], $0x4000  }
0x69: {  	[sflag:s11] =	ssyncset.done $0x0  }
0x6a: {  	[sflag:s11] =	ssyncadd.s32 $0xFFFFC000  }
0x6b: {  	[spmem:s2] =	stream.indirect.scatter.add.f32 [tilespmem:s12], [sflag:$0x1], $0x80, s13, s13, $0xb8;
	[tilespmem:$0x18400] =	vst v63  }
0x6c: {  	_ =	swait.ge [sflag:s11], $0x4000  }
0x6d: {  	[sflag:s11] =	ssyncset.done $0x0  }
0x6e: {  	[sflag:s11] =	ssyncadd.s32 $0xFFFFC000  }
0x6f: {  	[spmem:s2] =	stream.indirect.scatter.add.f32 [tilespmem:s12], [sflag:$0x1], $0x80, s14, s13, $0xb8;
	[tilespmem:$0x18400] =	vst v63  }
0x70: {  	_ =	swait.ge [sflag:s11], $0x4000  }
0x71: {  	[sflag:s11] =	ssyncset.done $0x0  }
0x72: {  	[sflag:s11] =	ssyncadd.s32 $0xFFFFC000  }
0x73: {  	[spmem:s2] =	stream.indirect.scatter.add.f32 [tilespmem:s12], [sflag:$0x1], $0x80, s15, s13, $0xb8;
	[tilespmem:$0x18400] =	vst v63  }
0x74: {  	_ =	swait.ge [sflag:s11], $0x4000  }
0x75: {  	[sflag:s11] =	ssyncset.done $0x0  }
0x76: {  	[sflag:s11] =	ssyncadd.s32 $0xFFFFC000  }
0x77: {  	[spmem:s2] =	stream.indirect.scatter.add.f32 [tilespmem:s12], [sflag:$0x1], $0x80, s16, s13, $0xb8;
	[tilespmem:$0x18400] =	vst v63  }
0x78: {  	_ =	swait.ge [sflag:s11], $0x4000  }
0x79: {  	[sflag:s11] =	ssyncset.done $0x0  }
0x7a: {  	[sflag:s11] =	ssyncadd.s32 $0xFFFFC000  }
0x7b: {  	[spmem:s2] =	stream.indirect.scatter.add.f32 [tilespmem:s12], [sflag:$0x1], $0x80, s17, s13, $0xb8;
	[tilespmem:$0x18400] =	vst v63  }
0x7c: {  	_ =	swait.ge [sflag:s11], $0x4000  }
0x7d: {  	[sflag:s11] =	ssyncset.done $0x0  }
0x7e: {  	[sflag:s11] =	ssyncadd.s32 $0xFFFFC000  }
0x7f: {  	[spmem:s2] =	stream.indirect.scatter.add.f32 [tilespmem:s12], [sflag:$0x1], $0x80, s18, s13, $0xb8;
	[tilespmem:$0x18400] =	vst v63  }
0x80: {  	_ =	swait.ge [sflag:s11], $0x4000  }
0x81: {  	[sflag:s11] =	ssyncset.done $0x0  }
0x82: {  	[sflag:s11] =	ssyncadd.s32 $0xFFFFC000  }
0x83: {  	[spmem:s2] =	stream.indirect.scatter.add.f32 [tilespmem:s12], [sflag:$0x1], $0x80, s19, s13, $0xb8;
	[tilespmem:$0x18400] =	vst v63  }
0x84: {  	_ =	swait.ge [sflag:s11], $0x4000  }
0x85: {  	s20 =	sadd.s32 $0x1, s20;
	[sflag:s11] =	ssyncset.done $0x0  }
0x86: {  	p0 =	sne.s32 s20, s8;
	[sflag:s11] =	ssyncadd.s32 $0xFFFFC000  }
.Ltmp1:
0x87: {  	[bflag:$0x0] =	sbarrier.arrive $0xFFFF;
	(pc) =	sbr.rel @p0 .LBB2_1-.Ltmp1, $4  }
0x88: {  	[hbm:s7], [sflag:s6] =	dma.local [spmem:s10], $0x2800  }
0x89: {  	_ =	swait.ge [sflag:s11], $0x2800  }
0x8a: {  	[sflag:s11] =	ssyncset.done $0x0  }
0x8b: {  	[sflag:s11] =	ssyncadd.s32 $0xFFFFD800  }
0x8c: {  	_ =	sfence.sel $0x180000  }
0x8d: {  	[bflag:$0x0] =	sbarrier.arrive $0xFFFF  }
0x8e: {  	p0 =	sne.s32 s0, $0x0;
	_ =	strace $0x90000047  }
0x8f: {  	s0 =	sadd.s32 @!p0 $0x100000, s1;
	[bflag:$0x2] =	sbarrier.arrive $0xFFFF  }
0x90: {  	[sflag:s0] =	ssyncadd.tile.s32 @!p0 $0x1;
	_ =	shalt  }
.Lfunc_end2:
_tile_overlayer_lowered:
.L_overlay_start_2:
0x91: {  	(tag) =	ssettag $0x2  }
0x92: {  	s0 =	rddreg [dreg:$0x0];
	s2 =	stileid.u32  }
0x93: {  	s1 =	rddreg [dreg:$0x1];
	p0 =	sne.s32 s2, $0x0  }
0x94: {  	s3 =	rddreg [dreg:$0x2];
	[bflag:$0x3] =	sbarrier.arrive $0xFFFF;
	s2 =	simm.s32 @!p0 $0x1C01  }
0x95: {  	[timem:s3], [sflag:s2] =	dma.local @!p0 [hbm:s0], s1  }
0x96: {  	s0 =	simm.s32 @!p0 $0x1  }
0x97: {  	_ =	swait.ge @!p0 [sflag:s0], s1  }
0x98: {  	s1 =	ssub.s32 @!p0 $0x0, s1;
	[sflag:s0] =	ssyncset.done @!p0 $0x0  }
0x99: {  	[sflag:s0] =	ssyncadd.s32 @!p0 s1  }
0x9a: {  	[bflag:$0x3] =	sbarrier.arrive $0xFFFF  }
0x9b: {  	_ =	shalt  }

</sc_bundles>
